<compile_context>
chip_gen: v7x
topology: tpu7x:2x2x1
jax: 0.10.2.dev20260603
libtpu: 0.0.44.dev20260713+nightly
codegen_flags: <defaults>
</compile_context>

<pallas_src>
import functools

import jax
import jax.numpy as jnp
from jax import lax
from jax.experimental import pallas as pl
from jax.experimental.pallas import tpu as pltpu
from jax.experimental.pallas import tpu_sc as plsc

_NODES = 10000
_EDGES = 320000
_D = 128

_NC = 2
_NS = 16
_NW = _NC * _NS
_EPW = _EDGES // _NW
_B = 40
_NCH = _EPW // _B
_NG = 1
_CPG = _NCH // _NG
_EPG = _CPG * _B
_PAIRS = _CPG // 2
_NPAD = 10240
_RPS = _NPAD // _NS
_ZR = 32


def _sc_segment_sum(src3, dst3, feature):
    mesh = plsc.VectorSubcoreMesh(core_axis_name="c", subcore_axis_name="s")

    @functools.partial(
        pl.kernel,
        out_type=[
            jax.ShapeDtypeStruct((_NC, _NPAD, _D), jnp.float32),
            jax.ShapeDtypeStruct((_NC, _NPAD), jnp.float32),
        ],
        mesh=mesh,
        scratch_types=[
            pltpu.VMEM((_EPG,), jnp.int32),
            pltpu.VMEM((_EPG,), jnp.int32),
            pltpu.VMEM((2, _B, _D), jnp.float32),
            pltpu.VMEM((2 * _B,), jnp.float32),
            pltpu.VMEM((_ZR, _D), jnp.float32),
            pltpu.VMEM((_RPS,), jnp.float32),
            pltpu.VMEM_SHARED((_NPAD, _D), jnp.float32),
            pltpu.VMEM_SHARED((_NPAD,), jnp.float32),
            pltpu.SemaphoreType.DMA,
            pltpu.SemaphoreType.DMA,
            pltpu.SemaphoreType.DMA,
            pltpu.SemaphoreType.DMA,
            pltpu.SemaphoreType.DMA,
            pltpu.SemaphoreType.DMA,
            pltpu.SemaphoreType.DMA,
        ],
    )
    def sc(src_hbm, dst3_hbm, feat_hbm, acc_out, deg_out,
           sf0, df0, rows_v, ones_v, zf_v, zd_v, acc_sh, deg_sh,
           g0, g1, s0, s1, d0, d1, isem):
        c = lax.axis_index("c")
        s = lax.axis_index("s")
        wid = s * _NC + c
        gsem = (g0, g1)
        ssem = (s0, s1)
        dsem = (d0, d1)
        sfb = (sf0, sf0)
        dfb = (df0, df0)

        zero16f = jnp.zeros((16,), jnp.float32)
        one16f = jnp.ones((16,), jnp.float32)

        for k in range(2 * _B // 16):
            ones_v[pl.ds(16 * k, 16)] = one16f

        def init_zf(i, carry):
            for k in range(_D // 16):
                zf_v[i, pl.ds(16 * k, 16)] = zero16f
            return carry

        lax.fori_loop(0, _ZR, init_zf, 0)

        def init_zd(i, carry):
            zd_v[pl.ds(16 * i, 16)] = zero16f
            return carry

        lax.fori_loop(0, _RPS // 16, init_zd, 0)

        def stage_start(g, p):
            pltpu.async_copy(src_hbm.at[wid, g, 0], sfb[p], isem)
            pltpu.async_copy(dst3_hbm.at[wid, g, 0], dfb[p], isem)

        def stage_wait(g, p):
            pltpu.make_async_copy(src_hbm.at[wid, g, 0], sfb[p], isem).wait()
            pltpu.make_async_copy(dst3_hbm.at[wid, g, 0], dfb[p], isem).wait()

        def gather_start(p, j, slot):
            pltpu.async_copy(feat_hbm.at[sfb[p].at[pl.ds(j * _B, _B)]],
                             rows_v.at[slot], gsem[slot])

        def gather_wait(p, j, slot):
            pltpu.make_async_copy(feat_hbm.at[sfb[p].at[pl.ds(j * _B, _B)]],
                                  rows_v.at[slot], gsem[slot]).wait()

        def scatter_start(p, j, slot):
            pltpu.async_copy(rows_v.at[slot],
                             acc_sh.at[dfb[p].at[pl.ds(j * _B, _B)]],
                             ssem[slot], add=True)

        def scatter_wait(p, j, slot):
            pltpu.make_async_copy(rows_v.at[slot],
                                  acc_sh.at[dfb[p].at[pl.ds(j * _B, _B)]],
                                  ssem[slot]).wait()

        def deg_start(p, i):
            pltpu.async_copy(ones_v,
                             deg_sh.at[dfb[p].at[pl.ds(i * 2 * _B, 2 * _B)]],
                             dsem[0], add=True)

        def deg_wait(p, i):
            pltpu.make_async_copy(
                ones_v, deg_sh.at[dfb[p].at[pl.ds(i * 2 * _B, 2 * _B)]],
                dsem[0]).wait()

        stage_start(0, 0)
        stage_wait(0, 0)
        gather_start(0, 0, 0)
        gather_start(0, 1, 1)

        for k in range(_RPS // _ZR):
            pltpu.sync_copy(zf_v, acc_sh.at[pl.ds(s * _RPS + k * _ZR, _ZR)])
        pltpu.sync_copy(zd_v, deg_sh.at[pl.ds(s * _RPS, _RPS)])
        plsc.subcore_barrier()

        for g in range(_NG):
            p = g & 1

            if g + 1 < _NG:
                stage_start(g + 1, 1 - p)

            def pair(i, carry):
                j0 = 2 * i
                j1 = 2 * i + 1
                gather_wait(p, j0, 0)
                scatter_start(p, j0, 0)
                deg_start(p, i)
                gather_wait(p, j1, 1)
                scatter_start(p, j1, 1)

                scatter_wait(p, j0, 0)

                @pl.when(j0 + 2 < _CPG)
                def _():
                    gather_start(p, j0 + 2, 0)

                scatter_wait(p, j1, 1)
                deg_wait(p, i)

                @pl.when(j1 + 2 < _CPG)
                def _():
                    gather_start(p, j1 + 2, 1)

                return carry

            lax.fori_loop(0, _PAIRS, pair, 0)

            if g + 1 < _NG:
                stage_wait(g + 1, 1 - p)
                gather_start(1 - p, 0, 0)
                gather_start(1 - p, 1, 1)

        plsc.subcore_barrier()

        pltpu.sync_copy(acc_sh.at[pl.ds(s * _RPS, _RPS)],
                        acc_out.at[c, pl.ds(s * _RPS, _RPS)])
        pltpu.sync_copy(deg_sh.at[pl.ds(s * _RPS, _RPS)],
                        deg_out.at[c, pl.ds(s * _RPS, _RPS)])

    return sc(src3, dst3, feature)


def _tc_finish(acc2, deg2, W, b2):

    def body(acc_ref, deg_ref, w_ref, b_ref, out_ref):
        a = acc_ref[0, :_NODES] + acc_ref[1, :_NODES]
        d = deg_ref[0] + deg_ref[1]
        d = jnp.reshape(jnp.maximum(d[:_NODES], 1.0), (_NODES, 1))
        h = a / d
        y = lax.dot_general(h, w_ref[...], (((1,), (1,)), ((), ())),
                            preferred_element_type=jnp.float32)
        out_ref[...] = jnp.maximum(y + b_ref[...], 0.0)

    return pl.pallas_call(
        body,
        out_shape=jax.ShapeDtypeStruct((_NODES, _D), jnp.float32),
    )(acc2, deg2, W, b2)


def kernel(feature, edge_index, W, b):
    src3 = edge_index[0].astype(jnp.int32).reshape(_NW, _NG, 1, _EPG)
    dst3 = edge_index[1].astype(jnp.int32).reshape(_NW, _NG, 1, _EPG)
    acc2, deg2 = _sc_segment_sum(src3, dst3, feature)
    return _tc_finish(acc2, deg2, W, b.reshape(1, _D))

# --- scband reference (transcript-rebuilt; emitter-appended) ---
"""Pipeline reference for scband-gcn-35579509080730 (READ-ONLY COPY).

The authoritative reference and input builder live on the scoring server;
editing this copy changes nothing except your own understanding.
"""

import jax, jax.numpy as jnp
import numpy as np

N_NODES = 10000
N_EDGES = 320000
D_IN = 128
D_OUT = 128


def setup_inputs(seed: int = 0) -> dict:
    key = jax.random.key(seed)
    k1, k2, k3, k4 = jax.random.split(key, 4)
    feature = jax.random.normal(k1, (N_NODES, D_IN), dtype=jnp.float32)
    edge_index = jax.random.randint(k2, (2, N_EDGES), 0, N_NODES)
    # Linear layer params (xavier_normal_ init on weight, as in NodeApplyModule)
    std = float(np.sqrt(2.0 / (D_IN + D_OUT)))
    W = jax.random.normal(k3, (D_OUT, D_IN), dtype=jnp.float32) * std
    bound = float(1.0 / np.sqrt(D_IN))
    b = jax.random.uniform(k4, (D_OUT,), dtype=jnp.float32, minval=-bound, maxval=bound)
    return {"feature": feature, "edge_index": edge_index, "W": W, "b": b}


def reference(feature, edge_index, W, b):
    # DGL GCN layer: copy_src message -> mean reduce over dst -> Linear -> activation
    src = edge_index[0]
    dst = edge_index[1]
    msg = feature[src]  # copy_src: gather source node features per edge
    summed = jax.ops.segment_sum(msg, dst, num_segments=N_NODES)
    deg = jax.ops.segment_sum(jnp.ones((N_EDGES,), dtype=jnp.float32), dst, num_segments=N_NODES)
    deg = jnp.clip(deg, 1.0)  # guard zero in-degree nodes
    h = summed / deg[:, None]  # mean reduce
    h = h @ W.T + b  # NodeApplyModule linear
    return jax.nn.relu(h)  # activation

if __name__ == "__main__":
    import jax
    _d = setup_inputs()
    print(jax.jit(kernel)(*tuple(_d.values())))

</pallas_src>

<mosaic_0001>
#map = affine_map<(d0, d1) -> (0, 0, 0, 0)>
#map1 = affine_map<(d0, d1) -> (0, 0)>
#map2 = affine_map<(d0, d1) -> (0, 0, 0)>
module attributes {stable_mosaic.version = 14 : i64} {
  func.func @sc(%arg0: i32, %arg1: i32, %arg2: memref<32x1x1x10000xi32, #tpu.memory_space<hbm>>, %arg3: memref<32x1x1x10000xi32, #tpu.memory_space<hbm>>, %arg4: memref<10000x128xf32, #tpu.memory_space<hbm>>, %arg5: memref<2x10240x128xf32, #tpu.memory_space<hbm>>, %arg6: memref<2x10240xf32, #tpu.memory_space<hbm>>, %arg7: memref<10000xi32, #tpu.memory_space<vmem>>, %arg8: memref<10000xi32, #tpu.memory_space<vmem>>, %arg9: memref<2x40x128xf32, #tpu.memory_space<vmem>>, %arg10: memref<80xf32, #tpu.memory_space<vmem>>, %arg11: memref<32x128xf32, #tpu.memory_space<vmem>>, %arg12: memref<640xf32, #tpu.memory_space<vmem>>, %arg13: memref<10240x128xf32, #tpu.memory_space<vmem_shared>>, %arg14: memref<10240xf32, #tpu.memory_space<vmem_shared>>, %arg15: memref<!tpu.dma_semaphore, #tpu.memory_space<semaphore_mem>>, %arg16: memref<!tpu.dma_semaphore, #tpu.memory_space<semaphore_mem>>, %arg17: memref<!tpu.dma_semaphore, #tpu.memory_space<semaphore_mem>>, %arg18: memref<!tpu.dma_semaphore, #tpu.memory_space<semaphore_mem>>, %arg19: memref<!tpu.dma_semaphore, #tpu.memory_space<semaphore_mem>>, %arg20: memref<!tpu.dma_semaphore, #tpu.memory_space<semaphore_mem>>, %arg21: memref<!tpu.dma_semaphore, #tpu.memory_space<semaphore_mem>>) attributes {dimension_semantics = [#tpu.dimension_semantics<core_parallel>, #tpu.dimension_semantics<subcore_parallel>], iteration_bounds = array<i64: 2, 16>, scalar_prefetch = 0 : i64, scratch_operands = 15 : i64, tpu.core_type = #tpu.core_type<sc_vector_subcore>, window_params = [{transform_indices = #map}, {transform_indices = #map}, {transform_indices = #map1}, {transform_indices = #map2}, {transform_indices = #map1}]} {
    %mul3A = arith.constant 2 : i32
    %mul3A_0 = arith.muli %arg1, %mul3A : i32
    %add3A = arith.addi %mul3A_0, %arg0 : i32
    %broadcast_in_dim3A = arith.constant 0.000000e+00 : f32
    %broadcast_in_dim3A_1 = vector.broadcast %broadcast_in_dim3A : f32 to vector<16xf32>
    %broadcast_in_dim3A_2 = arith.constant 1.000000e+00 : f32
    %broadcast_in_dim3A_3 = vector.broadcast %broadcast_in_dim3A_2 : f32 to vector<16xf32>
    %swap3A = arith.constant 0 : index
    %swap3A_4 = tpu.vector_load %arg10[%swap3A] {strides = array<i32>} : memref<80xf32, #tpu.memory_space<vmem>>, vector<16xf32>,
    %swap3A_5 = vector.shape_cast %swap3A_4 : vector<16xf32> to vector<16xf32>
    %swap3A_6 = vector.shape_cast %broadcast_in_dim3A_3 : vector<16xf32> to vector<16xf32>
    tpu.vector_store %arg10[%swap3A], %swap3A_6 {strides = array<i32>} : memref<80xf32, #tpu.memory_space<vmem>>, vector<16xf32>,
    %swap3A_7 = arith.constant 16 : index
    %swap3A_8 = tpu.vector_load %arg10[%swap3A_7] {strides = array<i32>} : memref<80xf32, #tpu.memory_space<vmem>>, vector<16xf32>,
    %swap3A_9 = vector.shape_cast %swap3A_8 : vector<16xf32> to vector<16xf32>
    %swap3A_10 = vector.shape_cast %broadcast_in_dim3A_3 : vector<16xf32> to vector<16xf32>
    tpu.vector_store %arg10[%swap3A_7], %swap3A_10 {strides = array<i32>} : memref<80xf32, #tpu.memory_space<vmem>>, vector<16xf32>,
    %swap3A_11 = arith.constant 32 : index
    %swap3A_12 = tpu.vector_load %arg10[%swap3A_11] {strides = array<i32>} : memref<80xf32, #tpu.memory_space<vmem>>, vector<16xf32>,
    %swap3A_13 = vector.shape_cast %swap3A_12 : vector<16xf32> to vector<16xf32>
    %swap3A_14 = vector.shape_cast %broadcast_in_dim3A_3 : vector<16xf32> to vector<16xf32>
    tpu.vector_store %arg10[%swap3A_11], %swap3A_14 {strides = array<i32>} : memref<80xf32, #tpu.memory_space<vmem>>, vector<16xf32>,
    %swap3A_15 = arith.constant 48 : index
    %swap3A_16 = tpu.vector_load %arg10[%swap3A_15] {strides = array<i32>} : memref<80xf32, #tpu.memory_space<vmem>>, vector<16xf32>,
    %swap3A_17 = vector.shape_cast %swap3A_16 : vector<16xf32> to vector<16xf32>
    %swap3A_18 = vector.shape_cast %broadcast_in_dim3A_3 : vector<16xf32> to vector<16xf32>
    tpu.vector_store %arg10[%swap3A_15], %swap3A_18 {strides = array<i32>} : memref<80xf32, #tpu.memory_space<vmem>>, vector<16xf32>,
    %swap3A_19 = arith.constant 64 : index
    %swap3A_20 = tpu.vector_load %arg10[%swap3A_19] {strides = array<i32>} : memref<80xf32, #tpu.memory_space<vmem>>, vector<16xf32>,
    %swap3A_21 = vector.shape_cast %swap3A_20 : vector<16xf32> to vector<16xf32>
    %swap3A_22 = vector.shape_cast %broadcast_in_dim3A_3 : vector<16xf32> to vector<16xf32>
    tpu.vector_store %arg10[%swap3A_19], %swap3A_22 {strides = array<i32>} : memref<80xf32, #tpu.memory_space<vmem>>, vector<16xf32>,
    %scan3A = arith.constant 0 : i32
    %scan3A_23 = arith.constant 0 : i32
    %scan3A_24 = arith.constant 32 : i32
    %scan3A_25 = arith.addi %scan3A_23, %scan3A_24 : i32
    %scan3A_26 = arith.constant 1 : i32
    scf.for %scan3A_181 = %scan3A_23 to %scan3A_25 step %scan3A_26  : i32 {
      %swap3A_182 = arith.index_cast %scan3A_181 : i32 to index
      %swap3A_183 = arith.constant 0 : index
      %swap3A_184 = tpu.vector_load %arg11[%swap3A_182, %swap3A_183] {strides = array<i32>} : memref<32x128xf32, #tpu.memory_space<vmem>>, vector<1x16xf32>,
      %swap3A_185 = vector.shape_cast %swap3A_184 : vector<1x16xf32> to vector<16xf32>
      %swap3A_186 = vector.shape_cast %broadcast_in_dim3A_1 : vector<16xf32> to vector<1x16xf32>
      tpu.vector_store %arg11[%swap3A_182, %swap3A_183], %swap3A_186 {strides = array<i32>} : memref<32x128xf32, #tpu.memory_space<vmem>>, vector<1x16xf32>,
      %swap3A_187 = arith.index_cast %scan3A_181 : i32 to index
      %swap3A_188 = arith.constant 16 : index
      %swap3A_189 = tpu.vector_load %arg11[%swap3A_187, %swap3A_188] {strides = array<i32>} : memref<32x128xf32, #tpu.memory_space<vmem>>, vector<1x16xf32>,
      %swap3A_190 = vector.shape_cast %swap3A_189 : vector<1x16xf32> to vector<16xf32>
      %swap3A_191 = vector.shape_cast %broadcast_in_dim3A_1 : vector<16xf32> to vector<1x16xf32>
      tpu.vector_store %arg11[%swap3A_187, %swap3A_188], %swap3A_191 {strides = array<i32>} : memref<32x128xf32, #tpu.memory_space<vmem>>, vector<1x16xf32>,
      %swap3A_192 = arith.index_cast %scan3A_181 : i32 to index
      %swap3A_193 = arith.constant 32 : index
      %swap3A_194 = tpu.vector_load %arg11[%swap3A_192, %swap3A_193] {strides = array<i32>} : memref<32x128xf32, #tpu.memory_space<vmem>>, vector<1x16xf32>,
      %swap3A_195 = vector.shape_cast %swap3A_194 : vector<1x16xf32> to vector<16xf32>
      %swap3A_196 = vector.shape_cast %broadcast_in_dim3A_1 : vector<16xf32> to vector<1x16xf32>
      tpu.vector_store %arg11[%swap3A_192, %swap3A_193], %swap3A_196 {strides = array<i32>} : memref<32x128xf32, #tpu.memory_space<vmem>>, vector<1x16xf32>,
      %swap3A_197 = arith.index_cast %scan3A_181 : i32 to index
      %swap3A_198 = arith.constant 48 : index
      %swap3A_199 = tpu.vector_load %arg11[%swap3A_197, %swap3A_198] {strides = array<i32>} : memref<32x128xf32, #tpu.memory_space<vmem>>, vector<1x16xf32>,
      %swap3A_200 = vector.shape_cast %swap3A_199 : vector<1x16xf32> to vector<16xf32>
      %swap3A_201 = vector.shape_cast %broadcast_in_dim3A_1 : vector<16xf32> to vector<1x16xf32>
      tpu.vector_store %arg11[%swap3A_197, %swap3A_198], %swap3A_201 {strides = array<i32>} : memref<32x128xf32, #tpu.memory_space<vmem>>, vector<1x16xf32>,
      %swap3A_202 = arith.index_cast %scan3A_181 : i32 to index
      %swap3A_203 = arith.constant 64 : index
      %swap3A_204 = tpu.vector_load %arg11[%swap3A_202, %swap3A_203] {strides = array<i32>} : memref<32x128xf32, #tpu.memory_space<vmem>>, vector<1x16xf32>,
      %swap3A_205 = vector.shape_cast %swap3A_204 : vector<1x16xf32> to vector<16xf32>
      %swap3A_206 = vector.shape_cast %broadcast_in_dim3A_1 : vector<16xf32> to vector<1x16xf32>
      tpu.vector_store %arg11[%swap3A_202, %swap3A_203], %swap3A_206 {strides = array<i32>} : memref<32x128xf32, #tpu.memory_space<vmem>>, vector<1x16xf32>,
      %swap3A_207 = arith.index_cast %scan3A_181 : i32 to index
      %swap3A_208 = arith.constant 80 : index
      %swap3A_209 = tpu.vector_load %arg11[%swap3A_207, %swap3A_208] {strides = array<i32>} : memref<32x128xf32, #tpu.memory_space<vmem>>, vector<1x16xf32>,
      %swap3A_210 = vector.shape_cast %swap3A_209 : vector<1x16xf32> to vector<16xf32>
      %swap3A_211 = vector.shape_cast %broadcast_in_dim3A_1 : vector<16xf32> to vector<1x16xf32>
      tpu.vector_store %arg11[%swap3A_207, %swap3A_208], %swap3A_211 {strides = array<i32>} : memref<32x128xf32, #tpu.memory_space<vmem>>, vector<1x16xf32>,
      %swap3A_212 = arith.index_cast %scan3A_181 : i32 to index
      %swap3A_213 = arith.constant 96 : index
      %swap3A_214 = tpu.vector_load %arg11[%swap3A_212, %swap3A_213] {strides = array<i32>} : memref<32x128xf32, #tpu.memory_space<vmem>>, vector<1x16xf32>,
      %swap3A_215 = vector.shape_cast %swap3A_214 : vector<1x16xf32> to vector<16xf32>
      %swap3A_216 = vector.shape_cast %broadcast_in_dim3A_1 : vector<16xf32> to vector<1x16xf32>
      tpu.vector_store %arg11[%swap3A_212, %swap3A_213], %swap3A_216 {strides = array<i32>} : memref<32x128xf32, #tpu.memory_space<vmem>>, vector<1x16xf32>,
      %swap3A_217 = arith.index_cast %scan3A_181 : i32 to index
      %swap3A_218 = arith.constant 112 : index
      %swap3A_219 = tpu.vector_load %arg11[%swap3A_217, %swap3A_218] {strides = array<i32>} : memref<32x128xf32, #tpu.memory_space<vmem>>, vector<1x16xf32>,
      %swap3A_220 = vector.shape_cast %swap3A_219 : vector<1x16xf32> to vector<16xf32>
      %swap3A_221 = vector.shape_cast %broadcast_in_dim3A_1 : vector<16xf32> to vector<1x16xf32>
      tpu.vector_store %arg11[%swap3A_217, %swap3A_218], %swap3A_221 {strides = array<i32>} : memref<32x128xf32, #tpu.memory_space<vmem>>, vector<1x16xf32>,
    }
    %scan3A_27 = arith.constant 32 : i32
    %scan3A_28 = arith.constant 0 : i32
    %scan3A_29 = arith.constant 0 : i32
    %scan3A_30 = arith.constant 40 : i32
    %scan3A_31 = arith.addi %scan3A_29, %scan3A_30 : i32
    %scan3A_32 = arith.constant 1 : i32
    scf.for %scan3A_181 = %scan3A_29 to %scan3A_31 step %scan3A_32  : i32 {
      %mul3A_182 = arith.constant 16 : i32
      %mul3A_183 = arith.muli %mul3A_182, %scan3A_181 : i32
      %swap3A_184 = arith.index_cast %mul3A_183 : i32 to index
      %swap3A_185 = tpu.vector_load %arg12[%swap3A_184] {strides = array<i32>} : memref<640xf32, #tpu.memory_space<vmem>>, vector<16xf32>,
      %swap3A_186 = vector.shape_cast %swap3A_185 : vector<16xf32> to vector<16xf32>
      %swap3A_187 = vector.shape_cast %broadcast_in_dim3A_1 : vector<16xf32> to vector<16xf32>
      tpu.vector_store %arg12[%swap3A_184], %swap3A_187 {strides = array<i32>} : memref<640xf32, #tpu.memory_space<vmem>>, vector<16xf32>,
    }
    %scan3A_33 = arith.constant 40 : i32
    %dma_start3A = arith.constant 0 : i32
    %dma_start3A_34 = arith.constant 0 : i32
    %dma_start3A_35 = arith.constant 0 : i32
    %dma_start3A_36 = tpu.memref_slice %arg2[%add3A, %dma_start3A, %dma_start3A_34, %dma_start3A_35] : memref<32x1x1x10000xi32, #tpu.memory_space<hbm>> -> memref<1x1x1x10000xi32, #tpu.memory_space<hbm>>
    %dma_start3A_37 = tpu.memref_squeeze %dma_start3A_36 : memref<1x1x1x10000xi32, #tpu.memory_space<hbm>> -> memref<10000xi32, #tpu.memory_space<hbm>>
    %dma_start3A_38 = arith.constant 0 : i32
    %dma_start3A_39 = tpu.memref_slice %arg2[%add3A, %dma_start3A, %dma_start3A_34, %dma_start3A_38] : memref<32x1x1x10000xi32, #tpu.memory_space<hbm>> -> memref<1x1x1x10000xi32, #tpu.memory_space<hbm>>
    %dma_start3A_40 = tpu.memref_squeeze %dma_start3A_39 : memref<1x1x1x10000xi32, #tpu.memory_space<hbm>> -> memref<10000xi32, #tpu.memory_space<hbm>>
    tpu.enqueue_dma source(%dma_start3A_40 : memref<10000xi32, #tpu.memory_space<hbm>>) target(%arg7 : memref<10000xi32, #tpu.memory_space<vmem>>) target_semaphore(%arg21 : memref<!tpu.dma_semaphore, #tpu.memory_space<semaphore_mem>>)
    %dma_start3A_41 = arith.constant 0 : i32
    %dma_start3A_42 = arith.constant 0 : i32
    %dma_start3A_43 = arith.constant 0 : i32
    %dma_start3A_44 = tpu.memref_slice %arg3[%add3A, %dma_start3A_41, %dma_start3A_42, %dma_start3A_43] : memref<32x1x1x10000xi32, #tpu.memory_space<hbm>> -> memref<1x1x1x10000xi32, #tpu.memory_space<hbm>>
    %dma_start3A_45 = tpu.memref_squeeze %dma_start3A_44 : memref<1x1x1x10000xi32, #tpu.memory_space<hbm>> -> memref<10000xi32, #tpu.memory_space<hbm>>
    %dma_start3A_46 = arith.constant 0 : i32
    %dma_start3A_47 = tpu.memref_slice %arg3[%add3A, %dma_start3A_41, %dma_start3A_42, %dma_start3A_46] : memref<32x1x1x10000xi32, #tpu.memory_space<hbm>> -> memref<1x1x1x10000xi32, #tpu.memory_space<hbm>>
    %dma_start3A_48 = tpu.memref_squeeze %dma_start3A_47 : memref<1x1x1x10000xi32, #tpu.memory_space<hbm>> -> memref<10000xi32, #tpu.memory_space<hbm>>
    tpu.enqueue_dma source(%dma_start3A_48 : memref<10000xi32, #tpu.memory_space<hbm>>) target(%arg8 : memref<10000xi32, #tpu.memory_space<vmem>>) target_semaphore(%arg21 : memref<!tpu.dma_semaphore, #tpu.memory_space<semaphore_mem>>)
    %dma_wait3A = arith.constant 0 : i32
    %dma_wait3A_49 = arith.constant 0 : i32
    %dma_wait3A_50 = arith.constant 0 : i32
    %dma_wait3A_51 = tpu.memref_slice %arg2[%add3A, %dma_wait3A, %dma_wait3A_49, %dma_wait3A_50] : memref<32x1x1x10000xi32, #tpu.memory_space<hbm>> -> memref<1x1x1x10000xi32, #tpu.memory_space<hbm>>
    %dma_wait3A_52 = tpu.memref_squeeze %dma_wait3A_51 : memref<1x1x1x10000xi32, #tpu.memory_space<hbm>> -> memref<10000xi32, #tpu.memory_space<hbm>>
    %dma_wait3A_53 = arith.constant 0 : i32
    %dma_wait3A_54 = tpu.memref_slice %arg2[%add3A, %dma_wait3A, %dma_wait3A_49, %dma_wait3A_53] : memref<32x1x1x10000xi32, #tpu.memory_space<hbm>> -> memref<1x1x1x10000xi32, #tpu.memory_space<hbm>>
    %dma_wait3A_55 = tpu.memref_squeeze %dma_wait3A_54 : memref<1x1x1x10000xi32, #tpu.memory_space<hbm>> -> memref<10000xi32, #tpu.memory_space<hbm>>
    tpu.wait_dma2 semaphore(%arg21 : memref<!tpu.dma_semaphore, #tpu.memory_space<semaphore_mem>>) src(%dma_wait3A_55 : memref<10000xi32, #tpu.memory_space<hbm>>) dst(%arg7 : memref<10000xi32, #tpu.memory_space<vmem>>)
    %dma_wait3A_56 = arith.constant 0 : i32
    %dma_wait3A_57 = arith.constant 0 : i32
    %dma_wait3A_58 = arith.constant 0 : i32
    %dma_wait3A_59 = tpu.memref_slice %arg3[%add3A, %dma_wait3A_56, %dma_wait3A_57, %dma_wait3A_58] : memref<32x1x1x10000xi32, #tpu.memory_space<hbm>> -> memref<1x1x1x10000xi32, #tpu.memory_space<hbm>>
    %dma_wait3A_60 = tpu.memref_squeeze %dma_wait3A_59 : memref<1x1x1x10000xi32, #tpu.memory_space<hbm>> -> memref<10000xi32, #tpu.memory_space<hbm>>
    %dma_wait3A_61 = arith.constant 0 : i32
    %dma_wait3A_62 = tpu.memref_slice %arg3[%add3A, %dma_wait3A_56, %dma_wait3A_57, %dma_wait3A_61] : memref<32x1x1x10000xi32, #tpu.memory_space<hbm>> -> memref<1x1x1x10000xi32, #tpu.memory_space<hbm>>
    %dma_wait3A_63 = tpu.memref_squeeze %dma_wait3A_62 : memref<1x1x1x10000xi32, #tpu.memory_space<hbm>> -> memref<10000xi32, #tpu.memory_space<hbm>>
    tpu.wait_dma2 semaphore(%arg21 : memref<!tpu.dma_semaphore, #tpu.memory_space<semaphore_mem>>) src(%dma_wait3A_63 : memref<10000xi32, #tpu.memory_space<hbm>>) dst(%arg8 : memref<10000xi32, #tpu.memory_space<vmem>>)
    %dma_start3A_64 = arith.constant 0 : i32
    %dma_start3A_65 = arith.constant 0 : i32
    %dma_start3A_66 = arith.constant 0 : i32
    %dma_start3A_67 = tpu.memref_slice %arg9[%dma_start3A_64, %dma_start3A_65, %dma_start3A_66] : memref<2x40x128xf32, #tpu.memory_space<vmem>> -> memref<1x40x128xf32, #tpu.memory_space<vmem>>
    %dma_start3A_68 = tpu.memref_squeeze %dma_start3A_67 : memref<1x40x128xf32, #tpu.memory_space<vmem>> -> memref<40x128xf32, #tpu.memory_space<vmem>>
    %dma_start3A_69 = arith.constant 0 : i32
    %dma_start3A_70 = tpu.memref_slice %arg7[%dma_start3A_69] : memref<10000xi32, #tpu.memory_space<vmem>> -> memref<40xi32, #tpu.memory_space<vmem>>
    %dma_start3A_71 = arith.constant 0 : i32
    %dma_start3A_72 = arith.constant 0 : i32
    %dma_start3A_73 = tpu.memref_slice %arg4[%dma_start3A_71, %dma_start3A_72] : memref<10000x128xf32, #tpu.memory_space<hbm>> -> memref<10000x128xf32, #tpu.memory_space<hbm>>
    tpu.enqueue_indirect_dma source(%dma_start3A_73 : memref<10000x128xf32, #tpu.memory_space<hbm>>) target(%dma_start3A_68 : memref<40x128xf32, #tpu.memory_space<vmem>>) offsets(%dma_start3A_70 : memref<40xi32, #tpu.memory_space<vmem>>) semaphore(%arg15 : memref<!tpu.dma_semaphore, #tpu.memory_space<semaphore_mem>>)
    %dma_start3A_74 = arith.constant 1 : i32
    %dma_start3A_75 = arith.constant 0 : i32
    %dma_start3A_76 = arith.constant 0 : i32
    %dma_start3A_77 = tpu.memref_slice %arg9[%dma_start3A_74, %dma_start3A_75, %dma_start3A_76] : memref<2x40x128xf32, #tpu.memory_space<vmem>> -> memref<1x40x128xf32, #tpu.memory_space<vmem>>
    %dma_start3A_78 = tpu.memref_squeeze %dma_start3A_77 : memref<1x40x128xf32, #tpu.memory_space<vmem>> -> memref<40x128xf32, #tpu.memory_space<vmem>>
    %dma_start3A_79 = arith.constant 40 : i32
    %dma_start3A_80 = tpu.memref_slice %arg7[%dma_start3A_79] : memref<10000xi32, #tpu.memory_space<vmem>> -> memref<40xi32, #tpu.memory_space<vmem>>
    %dma_start3A_81 = arith.constant 0 : i32
    %dma_start3A_82 = arith.constant 0 : i32
    %dma_start3A_83 = tpu.memref_slice %arg4[%dma_start3A_81, %dma_start3A_82] : memref<10000x128xf32, #tpu.memory_space<hbm>> -> memref<10000x128xf32, #tpu.memory_space<hbm>>
    tpu.enqueue_indirect_dma source(%dma_start3A_83 : memref<10000x128xf32, #tpu.memory_space<hbm>>) target(%dma_start3A_78 : memref<40x128xf32, #tpu.memory_space<vmem>>) offsets(%dma_start3A_80 : memref<40xi32, #tpu.memory_space<vmem>>) semaphore(%arg16 : memref<!tpu.dma_semaphore, #tpu.memory_space<semaphore_mem>>)
    %mul3A_84 = arith.constant 640 : i32
    %mul3A_85 = arith.muli %arg1, %mul3A_84 : i32
    %add3A_86 = arith.constant 0 : i32
    %add3A_87 = arith.addi %mul3A_85, %add3A_86 : i32
    "tpu.region"() ({
      %run_scoped3A = tpu.sem_alloc : memref<!tpu.dma_semaphore, #tpu.memory_space<semaphore_mem>>
      %dma_start3A_181 = arith.constant 0 : i32
      %dma_start3A_182 = tpu.memref_slice %arg13[%add3A_87, %dma_start3A_181] : memref<10240x128xf32, #tpu.memory_space<vmem_shared>> -> memref<32x128xf32, #tpu.memory_space<vmem_shared>>
      %dma_start3A_183 = arith.constant 0 : i32
      %dma_start3A_184 = tpu.memref_slice %arg13[%add3A_87, %dma_start3A_183] : memref<10240x128xf32, #tpu.memory_space<vmem_shared>> -> memref<32x128xf32, #tpu.memory_space<vmem_shared>>
      tpu.enqueue_dma source(%arg11 : memref<32x128xf32, #tpu.memory_space<vmem>>) target(%dma_start3A_184 : memref<32x128xf32, #tpu.memory_space<vmem_shared>>) target_semaphore(%run_scoped3A : memref<!tpu.dma_semaphore, #tpu.memory_space<semaphore_mem>>)
      %dma_wait3A_185 = arith.constant 0 : i32
      %dma_wait3A_186 = tpu.memref_slice %arg13[%add3A_87, %dma_wait3A_185] : memref<10240x128xf32, #tpu.memory_space<vmem_shared>> -> memref<32x128xf32, #tpu.memory_space<vmem_shared>>
      %dma_wait3A_187 = arith.constant 0 : i32
      %dma_wait3A_188 = tpu.memref_slice %arg13[%add3A_87, %dma_wait3A_187] : memref<10240x128xf32, #tpu.memory_space<vmem_shared>> -> memref<32x128xf32, #tpu.memory_space<vmem_shared>>
      tpu.wait_dma2 semaphore(%run_scoped3A : memref<!tpu.dma_semaphore, #tpu.memory_space<semaphore_mem>>) src(%arg11 : memref<32x128xf32, #tpu.memory_space<vmem>>) dst(%dma_wait3A_188 : memref<32x128xf32, #tpu.memory_space<vmem_shared>>)
      tpu.yield
    }) : () -> ()
    %mul3A_88 = arith.constant 640 : i32
    %mul3A_89 = arith.muli %arg1, %mul3A_88 : i32
    %add3A_90 = arith.constant 32 : i32
    %add3A_91 = arith.addi %mul3A_89, %add3A_90 : i32
    "tpu.region"() ({
      %run_scoped3A = tpu.sem_alloc : memref<!tpu.dma_semaphore, #tpu.memory_space<semaphore_mem>>
      %dma_start3A_181 = arith.constant 0 : i32
      %dma_start3A_182 = tpu.memref_slice %arg13[%add3A_91, %dma_start3A_181] : memref<10240x128xf32, #tpu.memory_space<vmem_shared>> -> memref<32x128xf32, #tpu.memory_space<vmem_shared>>
      %dma_start3A_183 = arith.constant 0 : i32
      %dma_start3A_184 = tpu.memref_slice %arg13[%add3A_91, %dma_start3A_183] : memref<10240x128xf32, #tpu.memory_space<vmem_shared>> -> memref<32x128xf32, #tpu.memory_space<vmem_shared>>
      tpu.enqueue_dma source(%arg11 : memref<32x128xf32, #tpu.memory_space<vmem>>) target(%dma_start3A_184 : memref<32x128xf32, #tpu.memory_space<vmem_shared>>) target_semaphore(%run_scoped3A : memref<!tpu.dma_semaphore, #tpu.memory_space<semaphore_mem>>)
      %dma_wait3A_185 = arith.constant 0 : i32
      %dma_wait3A_186 = tpu.memref_slice %arg13[%add3A_91, %dma_wait3A_185] : memref<10240x128xf32, #tpu.memory_space<vmem_shared>> -> memref<32x128xf32, #tpu.memory_space<vmem_shared>>
      %dma_wait3A_187 = arith.constant 0 : i32
      %dma_wait3A_188 = tpu.memref_slice %arg13[%add3A_91, %dma_wait3A_187] : memref<10240x128xf32, #tpu.memory_space<vmem_shared>> -> memref<32x128xf32, #tpu.memory_space<vmem_shared>>
      tpu.wait_dma2 semaphore(%run_scoped3A : memref<!tpu.dma_semaphore, #tpu.memory_space<semaphore_mem>>) src(%arg11 : memref<32x128xf32, #tpu.memory_space<vmem>>) dst(%dma_wait3A_188 : memref<32x128xf32, #tpu.memory_space<vmem_shared>>)
      tpu.yield
    }) : () -> ()
    %mul3A_92 = arith.constant 640 : i32
    %mul3A_93 = arith.muli %arg1, %mul3A_92 : i32
    %add3A_94 = arith.constant 64 : i32
    %add3A_95 = arith.addi %mul3A_93, %add3A_94 : i32
    "tpu.region"() ({
      %run_scoped3A = tpu.sem_alloc : memref<!tpu.dma_semaphore, #tpu.memory_space<semaphore_mem>>
      %dma_start3A_181 = arith.constant 0 : i32
      %dma_start3A_182 = tpu.memref_slice %arg13[%add3A_95, %dma_start3A_181] : memref<10240x128xf32, #tpu.memory_space<vmem_shared>> -> memref<32x128xf32, #tpu.memory_space<vmem_shared>>
      %dma_start3A_183 = arith.constant 0 : i32
      %dma_start3A_184 = tpu.memref_slice %arg13[%add3A_95, %dma_start3A_183] : memref<10240x128xf32, #tpu.memory_space<vmem_shared>> -> memref<32x128xf32, #tpu.memory_space<vmem_shared>>
      tpu.enqueue_dma source(%arg11 : memref<32x128xf32, #tpu.memory_space<vmem>>) target(%dma_start3A_184 : memref<32x128xf32, #tpu.memory_space<vmem_shared>>) target_semaphore(%run_scoped3A : memref<!tpu.dma_semaphore, #tpu.memory_space<semaphore_mem>>)
      %dma_wait3A_185 = arith.constant 0 : i32
      %dma_wait3A_186 = tpu.memref_slice %arg13[%add3A_95, %dma_wait3A_185] : memref<10240x128xf32, #tpu.memory_space<vmem_shared>> -> memref<32x128xf32, #tpu.memory_space<vmem_shared>>
      %dma_wait3A_187 = arith.constant 0 : i32
      %dma_wait3A_188 = tpu.memref_slice %arg13[%add3A_95, %dma_wait3A_187] : memref<10240x128xf32, #tpu.memory_space<vmem_shared>> -> memref<32x128xf32, #tpu.memory_space<vmem_shared>>
      tpu.wait_dma2 semaphore(%run_scoped3A : memref<!tpu.dma_semaphore, #tpu.memory_space<semaphore_mem>>) src(%arg11 : memref<32x128xf32, #tpu.memory_space<vmem>>) dst(%dma_wait3A_188 : memref<32x128xf32, #tpu.memory_space<vmem_shared>>)
      tpu.yield
    }) : () -> ()
    %mul3A_96 = arith.constant 640 : i32
    %mul3A_97 = arith.muli %arg1, %mul3A_96 : i32
    %add3A_98 = arith.constant 96 : i32
    %add3A_99 = arith.addi %mul3A_97, %add3A_98 : i32
    "tpu.region"() ({
      %run_scoped3A = tpu.sem_alloc : memref<!tpu.dma_semaphore, #tpu.memory_space<semaphore_mem>>
      %dma_start3A_181 = arith.constant 0 : i32
      %dma_start3A_182 = tpu.memref_slice %arg13[%add3A_99, %dma_start3A_181] : memref<10240x128xf32, #tpu.memory_space<vmem_shared>> -> memref<32x128xf32, #tpu.memory_space<vmem_shared>>
      %dma_start3A_183 = arith.constant 0 : i32
      %dma_start3A_184 = tpu.memref_slice %arg13[%add3A_99, %dma_start3A_183] : memref<10240x128xf32, #tpu.memory_space<vmem_shared>> -> memref<32x128xf32, #tpu.memory_space<vmem_shared>>
      tpu.enqueue_dma source(%arg11 : memref<32x128xf32, #tpu.memory_space<vmem>>) target(%dma_start3A_184 : memref<32x128xf32, #tpu.memory_space<vmem_shared>>) target_semaphore(%run_scoped3A : memref<!tpu.dma_semaphore, #tpu.memory_space<semaphore_mem>>)
      %dma_wait3A_185 = arith.constant 0 : i32
      %dma_wait3A_186 = tpu.memref_slice %arg13[%add3A_99, %dma_wait3A_185] : memref<10240x128xf32, #tpu.memory_space<vmem_shared>> -> memref<32x128xf32, #tpu.memory_space<vmem_shared>>
      %dma_wait3A_187 = arith.constant 0 : i32
      %dma_wait3A_188 = tpu.memref_slice %arg13[%add3A_99, %dma_wait3A_187] : memref<10240x128xf32, #tpu.memory_space<vmem_shared>> -> memref<32x128xf32, #tpu.memory_space<vmem_shared>>
      tpu.wait_dma2 semaphore(%run_scoped3A : memref<!tpu.dma_semaphore, #tpu.memory_space<semaphore_mem>>) src(%arg11 : memref<32x128xf32, #tpu.memory_space<vmem>>) dst(%dma_wait3A_188 : memref<32x128xf32, #tpu.memory_space<vmem_shared>>)
      tpu.yield
    }) : () -> ()
    %mul3A_100 = arith.constant 640 : i32
    %mul3A_101 = arith.muli %arg1, %mul3A_100 : i32
    %add3A_102 = arith.constant 128 : i32
    %add3A_103 = arith.addi %mul3A_101, %add3A_102 : i32
    "tpu.region"() ({
      %run_scoped3A = tpu.sem_alloc : memref<!tpu.dma_semaphore, #tpu.memory_space<semaphore_mem>>
      %dma_start3A_181 = arith.constant 0 : i32
      %dma_start3A_182 = tpu.memref_slice %arg13[%add3A_103, %dma_start3A_181] : memref<10240x128xf32, #tpu.memory_space<vmem_shared>> -> memref<32x128xf32, #tpu.memory_space<vmem_shared>>
      %dma_start3A_183 = arith.constant 0 : i32
      %dma_start3A_184 = tpu.memref_slice %arg13[%add3A_103, %dma_start3A_183] : memref<10240x128xf32, #tpu.memory_space<vmem_shared>> -> memref<32x128xf32, #tpu.memory_space<vmem_shared>>
      tpu.enqueue_dma source(%arg11 : memref<32x128xf32, #tpu.memory_space<vmem>>) target(%dma_start3A_184 : memref<32x128xf32, #tpu.memory_space<vmem_shared>>) target_semaphore(%run_scoped3A : memref<!tpu.dma_semaphore, #tpu.memory_space<semaphore_mem>>)
      %dma_wait3A_185 = arith.constant 0 : i32
      %dma_wait3A_186 = tpu.memref_slice %arg13[%add3A_103, %dma_wait3A_185] : memref<10240x128xf32, #tpu.memory_space<vmem_shared>> -> memref<32x128xf32, #tpu.memory_space<vmem_shared>>
      %dma_wait3A_187 = arith.constant 0 : i32
      %dma_wait3A_188 = tpu.memref_slice %arg13[%add3A_103, %dma_wait3A_187] : memref<10240x128xf32, #tpu.memory_space<vmem_shared>> -> memref<32x128xf32, #tpu.memory_space<vmem_shared>>
      tpu.wait_dma2 semaphore(%run_scoped3A : memref<!tpu.dma_semaphore, #tpu.memory_space<semaphore_mem>>) src(%arg11 : memref<32x128xf32, #tpu.memory_space<vmem>>) dst(%dma_wait3A_188 : memref<32x128xf32, #tpu.memory_space<vmem_shared>>)
      tpu.yield
    }) : () -> ()
    %mul3A_104 = arith.constant 640 : i32
    %mul3A_105 = arith.muli %arg1, %mul3A_104 : i32
    %add3A_106 = arith.constant 160 : i32
    %add3A_107 = arith.addi %mul3A_105, %add3A_106 : i32
    "tpu.region"() ({
      %run_scoped3A = tpu.sem_alloc : memref<!tpu.dma_semaphore, #tpu.memory_space<semaphore_mem>>
      %dma_start3A_181 = arith.constant 0 : i32
      %dma_start3A_182 = tpu.memref_slice %arg13[%add3A_107, %dma_start3A_181] : memref<10240x128xf32, #tpu.memory_space<vmem_shared>> -> memref<32x128xf32, #tpu.memory_space<vmem_shared>>
      %dma_start3A_183 = arith.constant 0 : i32
      %dma_start3A_184 = tpu.memref_slice %arg13[%add3A_107, %dma_start3A_183] : memref<10240x128xf32, #tpu.memory_space<vmem_shared>> -> memref<32x128xf32, #tpu.memory_space<vmem_shared>>
      tpu.enqueue_dma source(%arg11 : memref<32x128xf32, #tpu.memory_space<vmem>>) target(%dma_start3A_184 : memref<32x128xf32, #tpu.memory_space<vmem_shared>>) target_semaphore(%run_scoped3A : memref<!tpu.dma_semaphore, #tpu.memory_space<semaphore_mem>>)
      %dma_wait3A_185 = arith.constant 0 : i32
      %dma_wait3A_186 = tpu.memref_slice %arg13[%add3A_107, %dma_wait3A_185] : memref<10240x128xf32, #tpu.memory_space<vmem_shared>> -> memref<32x128xf32, #tpu.memory_space<vmem_shared>>
      %dma_wait3A_187 = arith.constant 0 : i32
      %dma_wait3A_188 = tpu.memref_slice %arg13[%add3A_107, %dma_wait3A_187] : memref<10240x128xf32, #tpu.memory_space<vmem_shared>> -> memref<32x128xf32, #tpu.memory_space<vmem_shared>>
      tpu.wait_dma2 semaphore(%run_scoped3A : memref<!tpu.dma_semaphore, #tpu.memory_space<semaphore_mem>>) src(%arg11 : memref<32x128xf32, #tpu.memory_space<vmem>>) dst(%dma_wait3A_188 : memref<32x128xf32, #tpu.memory_space<vmem_shared>>)
      tpu.yield
    }) : () -> ()
    %mul3A_108 = arith.constant 640 : i32
    %mul3A_109 = arith.muli %arg1, %mul3A_108 : i32
    %add3A_110 = arith.constant 192 : i32
    %add3A_111 = arith.addi %mul3A_109, %add3A_110 : i32
    "tpu.region"() ({
      %run_scoped3A = tpu.sem_alloc : memref<!tpu.dma_semaphore, #tpu.memory_space<semaphore_mem>>
      %dma_start3A_181 = arith.constant 0 : i32
      %dma_start3A_182 = tpu.memref_slice %arg13[%add3A_111, %dma_start3A_181] : memref<10240x128xf32, #tpu.memory_space<vmem_shared>> -> memref<32x128xf32, #tpu.memory_space<vmem_shared>>
      %dma_start3A_183 = arith.constant 0 : i32
      %dma_start3A_184 = tpu.memref_slice %arg13[%add3A_111, %dma_start3A_183] : memref<10240x128xf32, #tpu.memory_space<vmem_shared>> -> memref<32x128xf32, #tpu.memory_space<vmem_shared>>
      tpu.enqueue_dma source(%arg11 : memref<32x128xf32, #tpu.memory_space<vmem>>) target(%dma_start3A_184 : memref<32x128xf32, #tpu.memory_space<vmem_shared>>) target_semaphore(%run_scoped3A : memref<!tpu.dma_semaphore, #tpu.memory_space<semaphore_mem>>)
      %dma_wait3A_185 = arith.constant 0 : i32
      %dma_wait3A_186 = tpu.memref_slice %arg13[%add3A_111, %dma_wait3A_185] : memref<10240x128xf32, #tpu.memory_space<vmem_shared>> -> memref<32x128xf32, #tpu.memory_space<vmem_shared>>
      %dma_wait3A_187 = arith.constant 0 : i32
      %dma_wait3A_188 = tpu.memref_slice %arg13[%add3A_111, %dma_wait3A_187] : memref<10240x128xf32, #tpu.memory_space<vmem_shared>> -> memref<32x128xf32, #tpu.memory_space<vmem_shared>>
      tpu.wait_dma2 semaphore(%run_scoped3A : memref<!tpu.dma_semaphore, #tpu.memory_space<semaphore_mem>>) src(%arg11 : memref<32x128xf32, #tpu.memory_space<vmem>>) dst(%dma_wait3A_188 : memref<32x128xf32, #tpu.memory_space<vmem_shared>>)
      tpu.yield
    }) : () -> ()
    %mul3A_112 = arith.constant 640 : i32
    %mul3A_113 = arith.muli %arg1, %mul3A_112 : i32
    %add3A_114 = arith.constant 224 : i32
    %add3A_115 = arith.addi %mul3A_113, %add3A_114 : i32
    "tpu.region"() ({
      %run_scoped3A = tpu.sem_alloc : memref<!tpu.dma_semaphore, #tpu.memory_space<semaphore_mem>>
      %dma_start3A_181 = arith.constant 0 : i32
      %dma_start3A_182 = tpu.memref_slice %arg13[%add3A_115, %dma_start3A_181] : memref<10240x128xf32, #tpu.memory_space<vmem_shared>> -> memref<32x128xf32, #tpu.memory_space<vmem_shared>>
      %dma_start3A_183 = arith.constant 0 : i32
      %dma_start3A_184 = tpu.memref_slice %arg13[%add3A_115, %dma_start3A_183] : memref<10240x128xf32, #tpu.memory_space<vmem_shared>> -> memref<32x128xf32, #tpu.memory_space<vmem_shared>>
      tpu.enqueue_dma source(%arg11 : memref<32x128xf32, #tpu.memory_space<vmem>>) target(%dma_start3A_184 : memref<32x128xf32, #tpu.memory_space<vmem_shared>>) target_semaphore(%run_scoped3A : memref<!tpu.dma_semaphore, #tpu.memory_space<semaphore_mem>>)
      %dma_wait3A_185 = arith.constant 0 : i32
      %dma_wait3A_186 = tpu.memref_slice %arg13[%add3A_115, %dma_wait3A_185] : memref<10240x128xf32, #tpu.memory_space<vmem_shared>> -> memref<32x128xf32, #tpu.memory_space<vmem_shared>>
      %dma_wait3A_187 = arith.constant 0 : i32
      %dma_wait3A_188 = tpu.memref_slice %arg13[%add3A_115, %dma_wait3A_187] : memref<10240x128xf32, #tpu.memory_space<vmem_shared>> -> memref<32x128xf32, #tpu.memory_space<vmem_shared>>
      tpu.wait_dma2 semaphore(%run_scoped3A : memref<!tpu.dma_semaphore, #tpu.memory_space<semaphore_mem>>) src(%arg11 : memref<32x128xf32, #tpu.memory_space<vmem>>) dst(%dma_wait3A_188 : memref<32x128xf32, #tpu.memory_space<vmem_shared>>)
      tpu.yield
    }) : () -> ()
    %mul3A_116 = arith.constant 640 : i32
    %mul3A_117 = arith.muli %arg1, %mul3A_116 : i32
    %add3A_118 = arith.constant 256 : i32
    %add3A_119 = arith.addi %mul3A_117, %add3A_118 : i32
    "tpu.region"() ({
      %run_scoped3A = tpu.sem_alloc : memref<!tpu.dma_semaphore, #tpu.memory_space<semaphore_mem>>
      %dma_start3A_181 = arith.constant 0 : i32
      %dma_start3A_182 = tpu.memref_slice %arg13[%add3A_119, %dma_start3A_181] : memref<10240x128xf32, #tpu.memory_space<vmem_shared>> -> memref<32x128xf32, #tpu.memory_space<vmem_shared>>
      %dma_start3A_183 = arith.constant 0 : i32
      %dma_start3A_184 = tpu.memref_slice %arg13[%add3A_119, %dma_start3A_183] : memref<10240x128xf32, #tpu.memory_space<vmem_shared>> -> memref<32x128xf32, #tpu.memory_space<vmem_shared>>
      tpu.enqueue_dma source(%arg11 : memref<32x128xf32, #tpu.memory_space<vmem>>) target(%dma_start3A_184 : memref<32x128xf32, #tpu.memory_space<vmem_shared>>) target_semaphore(%run_scoped3A : memref<!tpu.dma_semaphore, #tpu.memory_space<semaphore_mem>>)
      %dma_wait3A_185 = arith.constant 0 : i32
      %dma_wait3A_186 = tpu.memref_slice %arg13[%add3A_119, %dma_wait3A_185] : memref<10240x128xf32, #tpu.memory_space<vmem_shared>> -> memref<32x128xf32, #tpu.memory_space<vmem_shared>>
      %dma_wait3A_187 = arith.constant 0 : i32
      %dma_wait3A_188 = tpu.memref_slice %arg13[%add3A_119, %dma_wait3A_187] : memref<10240x128xf32, #tpu.memory_space<vmem_shared>> -> memref<32x128xf32, #tpu.memory_space<vmem_shared>>
      tpu.wait_dma2 semaphore(%run_scoped3A : memref<!tpu.dma_semaphore, #tpu.memory_space<semaphore_mem>>) src(%arg11 : memref<32x128xf32, #tpu.memory_space<vmem>>) dst(%dma_wait3A_188 : memref<32x128xf32, #tpu.memory_space<vmem_shared>>)
      tpu.yield
    }) : () -> ()
    %mul3A_120 = arith.constant 640 : i32
    %mul3A_121 = arith.muli %arg1, %mul3A_120 : i32
    %add3A_122 = arith.constant 288 : i32
    %add3A_123 = arith.addi %mul3A_121, %add3A_122 : i32
    "tpu.region"() ({
      %run_scoped3A = tpu.sem_alloc : memref<!tpu.dma_semaphore, #tpu.memory_space<semaphore_mem>>
      %dma_start3A_181 = arith.constant 0 : i32
      %dma_start3A_182 = tpu.memref_slice %arg13[%add3A_123, %dma_start3A_181] : memref<10240x128xf32, #tpu.memory_space<vmem_shared>> -> memref<32x128xf32, #tpu.memory_space<vmem_shared>>
      %dma_start3A_183 = arith.constant 0 : i32
      %dma_start3A_184 = tpu.memref_slice %arg13[%add3A_123, %dma_start3A_183] : memref<10240x128xf32, #tpu.memory_space<vmem_shared>> -> memref<32x128xf32, #tpu.memory_space<vmem_shared>>
      tpu.enqueue_dma source(%arg11 : memref<32x128xf32, #tpu.memory_space<vmem>>) target(%dma_start3A_184 : memref<32x128xf32, #tpu.memory_space<vmem_shared>>) target_semaphore(%run_scoped3A : memref<!tpu.dma_semaphore, #tpu.memory_space<semaphore_mem>>)
      %dma_wait3A_185 = arith.constant 0 : i32
      %dma_wait3A_186 = tpu.memref_slice %arg13[%add3A_123, %dma_wait3A_185] : memref<10240x128xf32, #tpu.memory_space<vmem_shared>> -> memref<32x128xf32, #tpu.memory_space<vmem_shared>>
      %dma_wait3A_187 = arith.constant 0 : i32
      %dma_wait3A_188 = tpu.memref_slice %arg13[%add3A_123, %dma_wait3A_187] : memref<10240x128xf32, #tpu.memory_space<vmem_shared>> -> memref<32x128xf32, #tpu.memory_space<vmem_shared>>
      tpu.wait_dma2 semaphore(%run_scoped3A : memref<!tpu.dma_semaphore, #tpu.memory_space<semaphore_mem>>) src(%arg11 : memref<32x128xf32, #tpu.memory_space<vmem>>) dst(%dma_wait3A_188 : memref<32x128xf32, #tpu.memory_space<vmem_shared>>)
      tpu.yield
    }) : () -> ()
    %mul3A_124 = arith.constant 640 : i32
    %mul3A_125 = arith.muli %arg1, %mul3A_124 : i32
    %add3A_126 = arith.constant 320 : i32
    %add3A_127 = arith.addi %mul3A_125, %add3A_126 : i32
    "tpu.region"() ({
      %run_scoped3A = tpu.sem_alloc : memref<!tpu.dma_semaphore, #tpu.memory_space<semaphore_mem>>
      %dma_start3A_181 = arith.constant 0 : i32
      %dma_start3A_182 = tpu.memref_slice %arg13[%add3A_127, %dma_start3A_181] : memref<10240x128xf32, #tpu.memory_space<vmem_shared>> -> memref<32x128xf32, #tpu.memory_space<vmem_shared>>
      %dma_start3A_183 = arith.constant 0 : i32
      %dma_start3A_184 = tpu.memref_slice %arg13[%add3A_127, %dma_start3A_183] : memref<10240x128xf32, #tpu.memory_space<vmem_shared>> -> memref<32x128xf32, #tpu.memory_space<vmem_shared>>
      tpu.enqueue_dma source(%arg11 : memref<32x128xf32, #tpu.memory_space<vmem>>) target(%dma_start3A_184 : memref<32x128xf32, #tpu.memory_space<vmem_shared>>) target_semaphore(%run_scoped3A : memref<!tpu.dma_semaphore, #tpu.memory_space<semaphore_mem>>)
      %dma_wait3A_185 = arith.constant 0 : i32
      %dma_wait3A_186 = tpu.memref_slice %arg13[%add3A_127, %dma_wait3A_185] : memref<10240x128xf32, #tpu.memory_space<vmem_shared>> -> memref<32x128xf32, #tpu.memory_space<vmem_shared>>
      %dma_wait3A_187 = arith.constant 0 : i32
      %dma_wait3A_188 = tpu.memref_slice %arg13[%add3A_127, %dma_wait3A_187] : memref<10240x128xf32, #tpu.memory_space<vmem_shared>> -> memref<32x128xf32, #tpu.memory_space<vmem_shared>>
      tpu.wait_dma2 semaphore(%run_scoped3A : memref<!tpu.dma_semaphore, #tpu.memory_space<semaphore_mem>>) src(%arg11 : memref<32x128xf32, #tpu.memory_space<vmem>>) dst(%dma_wait3A_188 : memref<32x128xf32, #tpu.memory_space<vmem_shared>>)
      tpu.yield
    }) : () -> ()
    %mul3A_128 = arith.constant 640 : i32
    %mul3A_129 = arith.muli %arg1, %mul3A_128 : i32
    %add3A_130 = arith.constant 352 : i32
    %add3A_131 = arith.addi %mul3A_129, %add3A_130 : i32
    "tpu.region"() ({
      %run_scoped3A = tpu.sem_alloc : memref<!tpu.dma_semaphore, #tpu.memory_space<semaphore_mem>>
      %dma_start3A_181 = arith.constant 0 : i32
      %dma_start3A_182 = tpu.memref_slice %arg13[%add3A_131, %dma_start3A_181] : memref<10240x128xf32, #tpu.memory_space<vmem_shared>> -> memref<32x128xf32, #tpu.memory_space<vmem_shared>>
      %dma_start3A_183 = arith.constant 0 : i32
      %dma_start3A_184 = tpu.memref_slice %arg13[%add3A_131, %dma_start3A_183] : memref<10240x128xf32, #tpu.memory_space<vmem_shared>> -> memref<32x128xf32, #tpu.memory_space<vmem_shared>>
      tpu.enqueue_dma source(%arg11 : memref<32x128xf32, #tpu.memory_space<vmem>>) target(%dma_start3A_184 : memref<32x128xf32, #tpu.memory_space<vmem_shared>>) target_semaphore(%run_scoped3A : memref<!tpu.dma_semaphore, #tpu.memory_space<semaphore_mem>>)
      %dma_wait3A_185 = arith.constant 0 : i32
      %dma_wait3A_186 = tpu.memref_slice %arg13[%add3A_131, %dma_wait3A_185] : memref<10240x128xf32, #tpu.memory_space<vmem_shared>> -> memref<32x128xf32, #tpu.memory_space<vmem_shared>>
      %dma_wait3A_187 = arith.constant 0 : i32
      %dma_wait3A_188 = tpu.memref_slice %arg13[%add3A_131, %dma_wait3A_187] : memref<10240x128xf32, #tpu.memory_space<vmem_shared>> -> memref<32x128xf32, #tpu.memory_space<vmem_shared>>
      tpu.wait_dma2 semaphore(%run_scoped3A : memref<!tpu.dma_semaphore, #tpu.memory_space<semaphore_mem>>) src(%arg11 : memref<32x128xf32, #tpu.memory_space<vmem>>) dst(%dma_wait3A_188 : memref<32x128xf32, #tpu.memory_space<vmem_shared>>)
      tpu.yield
    }) : () -> ()
    %mul3A_132 = arith.constant 640 : i32
    %mul3A_133 = arith.muli %arg1, %mul3A_132 : i32
    %add3A_134 = arith.constant 384 : i32
    %add3A_135 = arith.addi %mul3A_133, %add3A_134 : i32
    "tpu.region"() ({
      %run_scoped3A = tpu.sem_alloc : memref<!tpu.dma_semaphore, #tpu.memory_space<semaphore_mem>>
      %dma_start3A_181 = arith.constant 0 : i32
      %dma_start3A_182 = tpu.memref_slice %arg13[%add3A_135, %dma_start3A_181] : memref<10240x128xf32, #tpu.memory_space<vmem_shared>> -> memref<32x128xf32, #tpu.memory_space<vmem_shared>>
      %dma_start3A_183 = arith.constant 0 : i32
      %dma_start3A_184 = tpu.memref_slice %arg13[%add3A_135, %dma_start3A_183] : memref<10240x128xf32, #tpu.memory_space<vmem_shared>> -> memref<32x128xf32, #tpu.memory_space<vmem_shared>>
      tpu.enqueue_dma source(%arg11 : memref<32x128xf32, #tpu.memory_space<vmem>>) target(%dma_start3A_184 : memref<32x128xf32, #tpu.memory_space<vmem_shared>>) target_semaphore(%run_scoped3A : memref<!tpu.dma_semaphore, #tpu.memory_space<semaphore_mem>>)
      %dma_wait3A_185 = arith.constant 0 : i32
      %dma_wait3A_186 = tpu.memref_slice %arg13[%add3A_135, %dma_wait3A_185] : memref<10240x128xf32, #tpu.memory_space<vmem_shared>> -> memref<32x128xf32, #tpu.memory_space<vmem_shared>>
      %dma_wait3A_187 = arith.constant 0 : i32
      %dma_wait3A_188 = tpu.memref_slice %arg13[%add3A_135, %dma_wait3A_187] : memref<10240x128xf32, #tpu.memory_space<vmem_shared>> -> memref<32x128xf32, #tpu.memory_space<vmem_shared>>
      tpu.wait_dma2 semaphore(%run_scoped3A : memref<!tpu.dma_semaphore, #tpu.memory_space<semaphore_mem>>) src(%arg11 : memref<32x128xf32, #tpu.memory_space<vmem>>) dst(%dma_wait3A_188 : memref<32x128xf32, #tpu.memory_space<vmem_shared>>)
      tpu.yield
    }) : () -> ()
    %mul3A_136 = arith.constant 640 : i32
    %mul3A_137 = arith.muli %arg1, %mul3A_136 : i32
    %add3A_138 = arith.constant 416 : i32
    %add3A_139 = arith.addi %mul3A_137, %add3A_138 : i32
    "tpu.region"() ({
      %run_scoped3A = tpu.sem_alloc : memref<!tpu.dma_semaphore, #tpu.memory_space<semaphore_mem>>
      %dma_start3A_181 = arith.constant 0 : i32
      %dma_start3A_182 = tpu.memref_slice %arg13[%add3A_139, %dma_start3A_181] : memref<10240x128xf32, #tpu.memory_space<vmem_shared>> -> memref<32x128xf32, #tpu.memory_space<vmem_shared>>
      %dma_start3A_183 = arith.constant 0 : i32
      %dma_start3A_184 = tpu.memref_slice %arg13[%add3A_139, %dma_start3A_183] : memref<10240x128xf32, #tpu.memory_space<vmem_shared>> -> memref<32x128xf32, #tpu.memory_space<vmem_shared>>
      tpu.enqueue_dma source(%arg11 : memref<32x128xf32, #tpu.memory_space<vmem>>) target(%dma_start3A_184 : memref<32x128xf32, #tpu.memory_space<vmem_shared>>) target_semaphore(%run_scoped3A : memref<!tpu.dma_semaphore, #tpu.memory_space<semaphore_mem>>)
      %dma_wait3A_185 = arith.constant 0 : i32
      %dma_wait3A_186 = tpu.memref_slice %arg13[%add3A_139, %dma_wait3A_185] : memref<10240x128xf32, #tpu.memory_space<vmem_shared>> -> memref<32x128xf32, #tpu.memory_space<vmem_shared>>
      %dma_wait3A_187 = arith.constant 0 : i32
      %dma_wait3A_188 = tpu.memref_slice %arg13[%add3A_139, %dma_wait3A_187] : memref<10240x128xf32, #tpu.memory_space<vmem_shared>> -> memref<32x128xf32, #tpu.memory_space<vmem_shared>>
      tpu.wait_dma2 semaphore(%run_scoped3A : memref<!tpu.dma_semaphore, #tpu.memory_space<semaphore_mem>>) src(%arg11 : memref<32x128xf32, #tpu.memory_space<vmem>>) dst(%dma_wait3A_188 : memref<32x128xf32, #tpu.memory_space<vmem_shared>>)
      tpu.yield
    }) : () -> ()
    %mul3A_140 = arith.constant 640 : i32
    %mul3A_141 = arith.muli %arg1, %mul3A_140 : i32
    %add3A_142 = arith.constant 448 : i32
    %add3A_143 = arith.addi %mul3A_141, %add3A_142 : i32
    "tpu.region"() ({
      %run_scoped3A = tpu.sem_alloc : memref<!tpu.dma_semaphore, #tpu.memory_space<semaphore_mem>>
      %dma_start3A_181 = arith.constant 0 : i32
      %dma_start3A_182 = tpu.memref_slice %arg13[%add3A_143, %dma_start3A_181] : memref<10240x128xf32, #tpu.memory_space<vmem_shared>> -> memref<32x128xf32, #tpu.memory_space<vmem_shared>>
      %dma_start3A_183 = arith.constant 0 : i32
      %dma_start3A_184 = tpu.memref_slice %arg13[%add3A_143, %dma_start3A_183] : memref<10240x128xf32, #tpu.memory_space<vmem_shared>> -> memref<32x128xf32, #tpu.memory_space<vmem_shared>>
      tpu.enqueue_dma source(%arg11 : memref<32x128xf32, #tpu.memory_space<vmem>>) target(%dma_start3A_184 : memref<32x128xf32, #tpu.memory_space<vmem_shared>>) target_semaphore(%run_scoped3A : memref<!tpu.dma_semaphore, #tpu.memory_space<semaphore_mem>>)
      %dma_wait3A_185 = arith.constant 0 : i32
      %dma_wait3A_186 = tpu.memref_slice %arg13[%add3A_143, %dma_wait3A_185] : memref<10240x128xf32, #tpu.memory_space<vmem_shared>> -> memref<32x128xf32, #tpu.memory_space<vmem_shared>>
      %dma_wait3A_187 = arith.constant 0 : i32
      %dma_wait3A_188 = tpu.memref_slice %arg13[%add3A_143, %dma_wait3A_187] : memref<10240x128xf32, #tpu.memory_space<vmem_shared>> -> memref<32x128xf32, #tpu.memory_space<vmem_shared>>
      tpu.wait_dma2 semaphore(%run_scoped3A : memref<!tpu.dma_semaphore, #tpu.memory_space<semaphore_mem>>) src(%arg11 : memref<32x128xf32, #tpu.memory_space<vmem>>) dst(%dma_wait3A_188 : memref<32x128xf32, #tpu.memory_space<vmem_shared>>)
      tpu.yield
    }) : () -> ()
    %mul3A_144 = arith.constant 640 : i32
    %mul3A_145 = arith.muli %arg1, %mul3A_144 : i32
    %add3A_146 = arith.constant 480 : i32
    %add3A_147 = arith.addi %mul3A_145, %add3A_146 : i32
    "tpu.region"() ({
      %run_scoped3A = tpu.sem_alloc : memref<!tpu.dma_semaphore, #tpu.memory_space<semaphore_mem>>
      %dma_start3A_181 = arith.constant 0 : i32
      %dma_start3A_182 = tpu.memref_slice %arg13[%add3A_147, %dma_start3A_181] : memref<10240x128xf32, #tpu.memory_space<vmem_shared>> -> memref<32x128xf32, #tpu.memory_space<vmem_shared>>
      %dma_start3A_183 = arith.constant 0 : i32
      %dma_start3A_184 = tpu.memref_slice %arg13[%add3A_147, %dma_start3A_183] : memref<10240x128xf32, #tpu.memory_space<vmem_shared>> -> memref<32x128xf32, #tpu.memory_space<vmem_shared>>
      tpu.enqueue_dma source(%arg11 : memref<32x128xf32, #tpu.memory_space<vmem>>) target(%dma_start3A_184 : memref<32x128xf32, #tpu.memory_space<vmem_shared>>) target_semaphore(%run_scoped3A : memref<!tpu.dma_semaphore, #tpu.memory_space<semaphore_mem>>)
      %dma_wait3A_185 = arith.constant 0 : i32
      %dma_wait3A_186 = tpu.memref_slice %arg13[%add3A_147, %dma_wait3A_185] : memref<10240x128xf32, #tpu.memory_space<vmem_shared>> -> memref<32x128xf32, #tpu.memory_space<vmem_shared>>
      %dma_wait3A_187 = arith.constant 0 : i32
      %dma_wait3A_188 = tpu.memref_slice %arg13[%add3A_147, %dma_wait3A_187] : memref<10240x128xf32, #tpu.memory_space<vmem_shared>> -> memref<32x128xf32, #tpu.memory_space<vmem_shared>>
      tpu.wait_dma2 semaphore(%run_scoped3A : memref<!tpu.dma_semaphore, #tpu.memory_space<semaphore_mem>>) src(%arg11 : memref<32x128xf32, #tpu.memory_space<vmem>>) dst(%dma_wait3A_188 : memref<32x128xf32, #tpu.memory_space<vmem_shared>>)
      tpu.yield
    }) : () -> ()
    %mul3A_148 = arith.constant 640 : i32
    %mul3A_149 = arith.muli %arg1, %mul3A_148 : i32
    %add3A_150 = arith.constant 512 : i32
    %add3A_151 = arith.addi %mul3A_149, %add3A_150 : i32
    "tpu.region"() ({
      %run_scoped3A = tpu.sem_alloc : memref<!tpu.dma_semaphore, #tpu.memory_space<semaphore_mem>>
      %dma_start3A_181 = arith.constant 0 : i32
      %dma_start3A_182 = tpu.memref_slice %arg13[%add3A_151, %dma_start3A_181] : memref<10240x128xf32, #tpu.memory_space<vmem_shared>> -> memref<32x128xf32, #tpu.memory_space<vmem_shared>>
      %dma_start3A_183 = arith.constant 0 : i32
      %dma_start3A_184 = tpu.memref_slice %arg13[%add3A_151, %dma_start3A_183] : memref<10240x128xf32, #tpu.memory_space<vmem_shared>> -> memref<32x128xf32, #tpu.memory_space<vmem_shared>>
      tpu.enqueue_dma source(%arg11 : memref<32x128xf32, #tpu.memory_space<vmem>>) target(%dma_start3A_184 : memref<32x128xf32, #tpu.memory_space<vmem_shared>>) target_semaphore(%run_scoped3A : memref<!tpu.dma_semaphore, #tpu.memory_space<semaphore_mem>>)
      %dma_wait3A_185 = arith.constant 0 : i32
      %dma_wait3A_186 = tpu.memref_slice %arg13[%add3A_151, %dma_wait3A_185] : memref<10240x128xf32, #tpu.memory_space<vmem_shared>> -> memref<32x128xf32, #tpu.memory_space<vmem_shared>>
      %dma_wait3A_187 = arith.constant 0 : i32
      %dma_wait3A_188 = tpu.memref_slice %arg13[%add3A_151, %dma_wait3A_187] : memref<10240x128xf32, #tpu.memory_space<vmem_shared>> -> memref<32x128xf32, #tpu.memory_space<vmem_shared>>
      tpu.wait_dma2 semaphore(%run_scoped3A : memref<!tpu.dma_semaphore, #tpu.memory_space<semaphore_mem>>) src(%arg11 : memref<32x128xf32, #tpu.memory_space<vmem>>) dst(%dma_wait3A_188 : memref<32x128xf32, #tpu.memory_space<vmem_shared>>)
      tpu.yield
    }) : () -> ()
    %mul3A_152 = arith.constant 640 : i32
    %mul3A_153 = arith.muli %arg1, %mul3A_152 : i32
    %add3A_154 = arith.constant 544 : i32
    %add3A_155 = arith.addi %mul3A_153, %add3A_154 : i32
    "tpu.region"() ({
      %run_scoped3A = tpu.sem_alloc : memref<!tpu.dma_semaphore, #tpu.memory_space<semaphore_mem>>
      %dma_start3A_181 = arith.constant 0 : i32
      %dma_start3A_182 = tpu.memref_slice %arg13[%add3A_155, %dma_start3A_181] : memref<10240x128xf32, #tpu.memory_space<vmem_shared>> -> memref<32x128xf32, #tpu.memory_space<vmem_shared>>
      %dma_start3A_183 = arith.constant 0 : i32
      %dma_start3A_184 = tpu.memref_slice %arg13[%add3A_155, %dma_start3A_183] : memref<10240x128xf32, #tpu.memory_space<vmem_shared>> -> memref<32x128xf32, #tpu.memory_space<vmem_shared>>
      tpu.enqueue_dma source(%arg11 : memref<32x128xf32, #tpu.memory_space<vmem>>) target(%dma_start3A_184 : memref<32x128xf32, #tpu.memory_space<vmem_shared>>) target_semaphore(%run_scoped3A : memref<!tpu.dma_semaphore, #tpu.memory_space<semaphore_mem>>)
      %dma_wait3A_185 = arith.constant 0 : i32
      %dma_wait3A_186 = tpu.memref_slice %arg13[%add3A_155, %dma_wait3A_185] : memref<10240x128xf32, #tpu.memory_space<vmem_shared>> -> memref<32x128xf32, #tpu.memory_space<vmem_shared>>
      %dma_wait3A_187 = arith.constant 0 : i32
      %dma_wait3A_188 = tpu.memref_slice %arg13[%add3A_155, %dma_wait3A_187] : memref<10240x128xf32, #tpu.memory_space<vmem_shared>> -> memref<32x128xf32, #tpu.memory_space<vmem_shared>>
      tpu.wait_dma2 semaphore(%run_scoped3A : memref<!tpu.dma_semaphore, #tpu.memory_space<semaphore_mem>>) src(%arg11 : memref<32x128xf32, #tpu.memory_space<vmem>>) dst(%dma_wait3A_188 : memref<32x128xf32, #tpu.memory_space<vmem_shared>>)
      tpu.yield
    }) : () -> ()
    %mul3A_156 = arith.constant 640 : i32
    %mul3A_157 = arith.muli %arg1, %mul3A_156 : i32
    %add3A_158 = arith.constant 576 : i32
    %add3A_159 = arith.addi %mul3A_157, %add3A_158 : i32
    "tpu.region"() ({
      %run_scoped3A = tpu.sem_alloc : memref<!tpu.dma_semaphore, #tpu.memory_space<semaphore_mem>>
      %dma_start3A_181 = arith.constant 0 : i32
      %dma_start3A_182 = tpu.memref_slice %arg13[%add3A_159, %dma_start3A_181] : memref<10240x128xf32, #tpu.memory_space<vmem_shared>> -> memref<32x128xf32, #tpu.memory_space<vmem_shared>>
      %dma_start3A_183 = arith.constant 0 : i32
      %dma_start3A_184 = tpu.memref_slice %arg13[%add3A_159, %dma_start3A_183] : memref<10240x128xf32, #tpu.memory_space<vmem_shared>> -> memref<32x128xf32, #tpu.memory_space<vmem_shared>>
      tpu.enqueue_dma source(%arg11 : memref<32x128xf32, #tpu.memory_space<vmem>>) target(%dma_start3A_184 : memref<32x128xf32, #tpu.memory_space<vmem_shared>>) target_semaphore(%run_scoped3A : memref<!tpu.dma_semaphore, #tpu.memory_space<semaphore_mem>>)
      %dma_wait3A_185 = arith.constant 0 : i32
      %dma_wait3A_186 = tpu.memref_slice %arg13[%add3A_159, %dma_wait3A_185] : memref<10240x128xf32, #tpu.memory_space<vmem_shared>> -> memref<32x128xf32, #tpu.memory_space<vmem_shared>>
      %dma_wait3A_187 = arith.constant 0 : i32
      %dma_wait3A_188 = tpu.memref_slice %arg13[%add3A_159, %dma_wait3A_187] : memref<10240x128xf32, #tpu.memory_space<vmem_shared>> -> memref<32x128xf32, #tpu.memory_space<vmem_shared>>
      tpu.wait_dma2 semaphore(%run_scoped3A : memref<!tpu.dma_semaphore, #tpu.memory_space<semaphore_mem>>) src(%arg11 : memref<32x128xf32, #tpu.memory_space<vmem>>) dst(%dma_wait3A_188 : memref<32x128xf32, #tpu.memory_space<vmem_shared>>)
      tpu.yield
    }) : () -> ()
    %mul3A_160 = arith.constant 640 : i32
    %mul3A_161 = arith.muli %arg1, %mul3A_160 : i32
    %add3A_162 = arith.constant 608 : i32
    %add3A_163 = arith.addi %mul3A_161, %add3A_162 : i32
    "tpu.region"() ({
      %run_scoped3A = tpu.sem_alloc : memref<!tpu.dma_semaphore, #tpu.memory_space<semaphore_mem>>
      %dma_start3A_181 = arith.constant 0 : i32
      %dma_start3A_182 = tpu.memref_slice %arg13[%add3A_163, %dma_start3A_181] : memref<10240x128xf32, #tpu.memory_space<vmem_shared>> -> memref<32x128xf32, #tpu.memory_space<vmem_shared>>
      %dma_start3A_183 = arith.constant 0 : i32
      %dma_start3A_184 = tpu.memref_slice %arg13[%add3A_163, %dma_start3A_183] : memref<10240x128xf32, #tpu.memory_space<vmem_shared>> -> memref<32x128xf32, #tpu.memory_space<vmem_shared>>
      tpu.enqueue_dma source(%arg11 : memref<32x128xf32, #tpu.memory_space<vmem>>) target(%dma_start3A_184 : memref<32x128xf32, #tpu.memory_space<vmem_shared>>) target_semaphore(%run_scoped3A : memref<!tpu.dma_semaphore, #tpu.memory_space<semaphore_mem>>)
      %dma_wait3A_185 = arith.constant 0 : i32
      %dma_wait3A_186 = tpu.memref_slice %arg13[%add3A_163, %dma_wait3A_185] : memref<10240x128xf32, #tpu.memory_space<vmem_shared>> -> memref<32x128xf32, #tpu.memory_space<vmem_shared>>
      %dma_wait3A_187 = arith.constant 0 : i32
      %dma_wait3A_188 = tpu.memref_slice %arg13[%add3A_163, %dma_wait3A_187] : memref<10240x128xf32, #tpu.memory_space<vmem_shared>> -> memref<32x128xf32, #tpu.memory_space<vmem_shared>>
      tpu.wait_dma2 semaphore(%run_scoped3A : memref<!tpu.dma_semaphore, #tpu.memory_space<semaphore_mem>>) src(%arg11 : memref<32x128xf32, #tpu.memory_space<vmem>>) dst(%dma_wait3A_188 : memref<32x128xf32, #tpu.memory_space<vmem_shared>>)
      tpu.yield
    }) : () -> ()
    %mul3A_164 = arith.constant 640 : i32
    %mul3A_165 = arith.muli %arg1, %mul3A_164 : i32
    "tpu.region"() ({
      %run_scoped3A = tpu.sem_alloc : memref<!tpu.dma_semaphore, #tpu.memory_space<semaphore_mem>>
      %dma_start3A_181 = tpu.memref_slice %arg14[%mul3A_165] : memref<10240xf32, #tpu.memory_space<vmem_shared>> -> memref<640xf32, #tpu.memory_space<vmem_shared>>
      %dma_start3A_182 = tpu.memref_slice %arg14[%mul3A_165] : memref<10240xf32, #tpu.memory_space<vmem_shared>> -> memref<640xf32, #tpu.memory_space<vmem_shared>>
      tpu.enqueue_dma source(%arg12 : memref<640xf32, #tpu.memory_space<vmem>>) target(%dma_start3A_182 : memref<640xf32, #tpu.memory_space<vmem_shared>>) target_semaphore(%run_scoped3A : memref<!tpu.dma_semaphore, #tpu.memory_space<semaphore_mem>>)
      %dma_wait3A_183 = tpu.memref_slice %arg14[%mul3A_165] : memref<10240xf32, #tpu.memory_space<vmem_shared>> -> memref<640xf32, #tpu.memory_space<vmem_shared>>
      %dma_wait3A_184 = tpu.memref_slice %arg14[%mul3A_165] : memref<10240xf32, #tpu.memory_space<vmem_shared>> -> memref<640xf32, #tpu.memory_space<vmem_shared>>
      tpu.wait_dma2 semaphore(%run_scoped3A : memref<!tpu.dma_semaphore, #tpu.memory_space<semaphore_mem>>) src(%arg12 : memref<640xf32, #tpu.memory_space<vmem>>) dst(%dma_wait3A_184 : memref<640xf32, #tpu.memory_space<vmem_shared>>)
      tpu.yield
    }) : () -> ()
    %barrier3A = arith.constant 0 : index
    tpu.barrier barrier_id(%barrier3A)
    %scan3A_166 = arith.constant 0 : i32
    %scan3A_167 = arith.constant 0 : i32
    %scan3A_168 = arith.constant 125 : i32
    %scan3A_169 = arith.addi %scan3A_167, %scan3A_168 : i32
    %scan3A_170 = arith.constant 1 : i32
    scf.for %scan3A_181 = %scan3A_167 to %scan3A_169 step %scan3A_170  : i32 {
      %mul3A_182 = arith.constant 2 : i32
      %mul3A_183 = arith.muli %mul3A_182, %scan3A_181 : i32
      %mul3A_184 = arith.constant 2 : i32
      %mul3A_185 = arith.muli %mul3A_184, %scan3A_181 : i32
      %add3A_186 = arith.constant 1 : i32
      %add3A_187 = arith.addi %mul3A_185, %add3A_186 : i32
      %mul3A_188 = arith.constant 40 : i32
      %mul3A_189 = arith.muli %mul3A_183, %mul3A_188 : i32
      %dma_wait3A_190 = arith.constant 0 : i32
      %dma_wait3A_191 = arith.constant 0 : i32
      %dma_wait3A_192 = arith.constant 0 : i32
      %dma_wait3A_193 = tpu.memref_slice %arg9[%dma_wait3A_190, %dma_wait3A_191, %dma_wait3A_192] : memref<2x40x128xf32, #tpu.memory_space<vmem>> -> memref<1x40x128xf32, #tpu.memory_space<vmem>>
      %dma_wait3A_194 = tpu.memref_squeeze %dma_wait3A_193 : memref<1x40x128xf32, #tpu.memory_space<vmem>> -> memref<40x128xf32, #tpu.memory_space<vmem>>
      %dma_wait3A_195 = tpu.memref_slice %arg7[%mul3A_189] : memref<10000xi32, #tpu.memory_space<vmem>> -> memref<40xi32, #tpu.memory_space<vmem>>
      %dma_wait3A_196 = arith.constant 0 : i32
      %dma_wait3A_197 = arith.constant 0 : i32
      %dma_wait3A_198 = tpu.memref_slice %arg4[%dma_wait3A_196, %dma_wait3A_197] : memref<10000x128xf32, #tpu.memory_space<hbm>> -> memref<10000x128xf32, #tpu.memory_space<hbm>>
      tpu.wait_indirect_dma semaphore(%arg15 : memref<!tpu.dma_semaphore, #tpu.memory_space<semaphore_mem>>) src(%dma_wait3A_198 : memref<10000x128xf32, #tpu.memory_space<hbm>>) dst(%dma_wait3A_194 : memref<40x128xf32, #tpu.memory_space<vmem>>)
      %mul3A_199 = arith.constant 40 : i32
      %mul3A_200 = arith.muli %mul3A_183, %mul3A_199 : i32
      %dma_start3A_201 = arith.constant 0 : i32
      %dma_start3A_202 = arith.constant 0 : i32
      %dma_start3A_203 = arith.constant 0 : i32
      %dma_start3A_204 = tpu.memref_slice %arg9[%dma_start3A_201, %dma_start3A_202, %dma_start3A_203] : memref<2x40x128xf32, #tpu.memory_space<vmem>> -> memref<1x40x128xf32, #tpu.memory_space<vmem>>
      %dma_start3A_205 = tpu.memref_squeeze %dma_start3A_204 : memref<1x40x128xf32, #tpu.memory_space<vmem>> -> memref<40x128xf32, #tpu.memory_space<vmem>>
      %dma_start3A_206 = tpu.memref_slice %arg8[%mul3A_200] : memref<10000xi32, #tpu.memory_space<vmem>> -> memref<40xi32, #tpu.memory_space<vmem>>
      %dma_start3A_207 = arith.constant 0 : i32
      %dma_start3A_208 = arith.constant 0 : i32
      %dma_start3A_209 = tpu.memref_slice %arg13[%dma_start3A_207, %dma_start3A_208] : memref<10240x128xf32, #tpu.memory_space<vmem_shared>> -> memref<10240x128xf32, #tpu.memory_space<vmem_shared>>
      tpu.enqueue_indirect_dma source(%dma_start3A_205 : memref<40x128xf32, #tpu.memory_space<vmem>>) target(%dma_start3A_209 : memref<10240x128xf32, #tpu.memory_space<vmem_shared>>) offsets(%dma_start3A_206 : memref<40xi32, #tpu.memory_space<vmem>>) semaphore(%arg17 : memref<!tpu.dma_semaphore, #tpu.memory_space<semaphore_mem>>) {add = true}
      %mul3A_210 = arith.constant 2 : i32
      %mul3A_211 = arith.muli %scan3A_181, %mul3A_210 : i32
      %mul3A_212 = arith.constant 40 : i32
      %mul3A_213 = arith.muli %mul3A_211, %mul3A_212 : i32
      %dma_start3A_214 = tpu.memref_slice %arg8[%mul3A_213] : memref<10000xi32, #tpu.memory_space<vmem>> -> memref<80xi32, #tpu.memory_space<vmem>>
      %dma_start3A_215 = arith.constant 0 : i32
      %dma_start3A_216 = tpu.memref_slice %arg14[%dma_start3A_215] : memref<10240xf32, #tpu.memory_space<vmem_shared>> -> memref<10240xf32, #tpu.memory_space<vmem_shared>>
      tpu.enqueue_indirect_dma source(%arg10 : memref<80xf32, #tpu.memory_space<vmem>>) target(%dma_start3A_216 : memref<10240xf32, #tpu.memory_space<vmem_shared>>) offsets(%dma_start3A_214 : memref<80xi32, #tpu.memory_space<vmem>>) semaphore(%arg19 : memref<!tpu.dma_semaphore, #tpu.memory_space<semaphore_mem>>) {add = true}
      %mul3A_217 = arith.constant 40 : i32
      %mul3A_218 = arith.muli %add3A_187, %mul3A_217 : i32
      %dma_wait3A_219 = arith.constant 1 : i32
      %dma_wait3A_220 = arith.constant 0 : i32
      %dma_wait3A_221 = arith.constant 0 : i32
      %dma_wait3A_222 = tpu.memref_slice %arg9[%dma_wait3A_219, %dma_wait3A_220, %dma_wait3A_221] : memref<2x40x128xf32, #tpu.memory_space<vmem>> -> memref<1x40x128xf32, #tpu.memory_space<vmem>>
      %dma_wait3A_223 = tpu.memref_squeeze %dma_wait3A_222 : memref<1x40x128xf32, #tpu.memory_space<vmem>> -> memref<40x128xf32, #tpu.memory_space<vmem>>
      %dma_wait3A_224 = tpu.memref_slice %arg7[%mul3A_218] : memref<10000xi32, #tpu.memory_space<vmem>> -> memref<40xi32, #tpu.memory_space<vmem>>
      %dma_wait3A_225 = arith.constant 0 : i32
      %dma_wait3A_226 = arith.constant 0 : i32
      %dma_wait3A_227 = tpu.memref_slice %arg4[%dma_wait3A_225, %dma_wait3A_226] : memref<10000x128xf32, #tpu.memory_space<hbm>> -> memref<10000x128xf32, #tpu.memory_space<hbm>>
      tpu.wait_indirect_dma semaphore(%arg16 : memref<!tpu.dma_semaphore, #tpu.memory_space<semaphore_mem>>) src(%dma_wait3A_227 : memref<10000x128xf32, #tpu.memory_space<hbm>>) dst(%dma_wait3A_223 : memref<40x128xf32, #tpu.memory_space<vmem>>)
      %mul3A_228 = arith.constant 40 : i32
      %mul3A_229 = arith.muli %add3A_187, %mul3A_228 : i32
      %dma_start3A_230 = arith.constant 1 : i32
      %dma_start3A_231 = arith.constant 0 : i32
      %dma_start3A_232 = arith.constant 0 : i32
      %dma_start3A_233 = tpu.memref_slice %arg9[%dma_start3A_230, %dma_start3A_231, %dma_start3A_232] : memref<2x40x128xf32, #tpu.memory_space<vmem>> -> memref<1x40x128xf32, #tpu.memory_space<vmem>>
      %dma_start3A_234 = tpu.memref_squeeze %dma_start3A_233 : memref<1x40x128xf32, #tpu.memory_space<vmem>> -> memref<40x128xf32, #tpu.memory_space<vmem>>
      %dma_start3A_235 = tpu.memref_slice %arg8[%mul3A_229] : memref<10000xi32, #tpu.memory_space<vmem>> -> memref<40xi32, #tpu.memory_space<vmem>>
      %dma_start3A_236 = arith.constant 0 : i32
      %dma_start3A_237 = arith.constant 0 : i32
      %dma_start3A_238 = tpu.memref_slice %arg13[%dma_start3A_236, %dma_start3A_237] : memref<10240x128xf32, #tpu.memory_space<vmem_shared>> -> memref<10240x128xf32, #tpu.memory_space<vmem_shared>>
      tpu.enqueue_indirect_dma source(%dma_start3A_234 : memref<40x128xf32, #tpu.memory_space<vmem>>) target(%dma_start3A_238 : memref<10240x128xf32, #tpu.memory_space<vmem_shared>>) offsets(%dma_start3A_235 : memref<40xi32, #tpu.memory_space<vmem>>) semaphore(%arg18 : memref<!tpu.dma_semaphore, #tpu.memory_space<semaphore_mem>>) {add = true}
      %mul3A_239 = arith.constant 40 : i32
      %mul3A_240 = arith.muli %mul3A_183, %mul3A_239 : i32
      %dma_wait3A_241 = arith.constant 0 : i32
      %dma_wait3A_242 = arith.constant 0 : i32
      %dma_wait3A_243 = arith.constant 0 : i32
      %dma_wait3A_244 = tpu.memref_slice %arg9[%dma_wait3A_241, %dma_wait3A_242, %dma_wait3A_243] : memref<2x40x128xf32, #tpu.memory_space<vmem>> -> memref<1x40x128xf32, #tpu.memory_space<vmem>>
      %dma_wait3A_245 = tpu.memref_squeeze %dma_wait3A_244 : memref<1x40x128xf32, #tpu.memory_space<vmem>> -> memref<40x128xf32, #tpu.memory_space<vmem>>
      %dma_wait3A_246 = tpu.memref_slice %arg8[%mul3A_240] : memref<10000xi32, #tpu.memory_space<vmem>> -> memref<40xi32, #tpu.memory_space<vmem>>
      %dma_wait3A_247 = arith.constant 0 : i32
      %dma_wait3A_248 = arith.constant 0 : i32
      %dma_wait3A_249 = tpu.memref_slice %arg13[%dma_wait3A_247, %dma_wait3A_248] : memref<10240x128xf32, #tpu.memory_space<vmem_shared>> -> memref<10240x128xf32, #tpu.memory_space<vmem_shared>>
      tpu.wait_indirect_dma semaphore(%arg17 : memref<!tpu.dma_semaphore, #tpu.memory_space<semaphore_mem>>) src(%dma_wait3A_245 : memref<40x128xf32, #tpu.memory_space<vmem>>) dst(%dma_wait3A_249 : memref<10240x128xf32, #tpu.memory_space<vmem_shared>>)
      %add3A_250 = arith.constant 2 : i32
      %add3A_251 = arith.addi %mul3A_183, %add3A_250 : i32
      %lt3A = arith.constant 250 : i32
      %lt3A_252 = arith.cmpi slt, %add3A_251, %lt3A : i32
      %convert_element_type3A = arith.extui %lt3A_252 : i1 to i32
      %cond3A = arith.constant 0 : i32
      %cond3A_253 = arith.cmpi ne, %convert_element_type3A, %cond3A : i32
      scf.if %cond3A_253 {
        %add3A_279 = arith.constant 2 : i32
        %add3A_280 = arith.addi %mul3A_183, %add3A_279 : i32
        %mul3A_281 = arith.constant 40 : i32
        %mul3A_282 = arith.muli %add3A_280, %mul3A_281 : i32
        %dma_start3A_283 = arith.constant 0 : i32
        %dma_start3A_284 = arith.constant 0 : i32
        %dma_start3A_285 = arith.constant 0 : i32
        %dma_start3A_286 = tpu.memref_slice %arg9[%dma_start3A_283, %dma_start3A_284, %dma_start3A_285] : memref<2x40x128xf32, #tpu.memory_space<vmem>> -> memref<1x40x128xf32, #tpu.memory_space<vmem>>
        %dma_start3A_287 = tpu.memref_squeeze %dma_start3A_286 : memref<1x40x128xf32, #tpu.memory_space<vmem>> -> memref<40x128xf32, #tpu.memory_space<vmem>>
        %dma_start3A_288 = tpu.memref_slice %arg7[%mul3A_282] : memref<10000xi32, #tpu.memory_space<vmem>> -> memref<40xi32, #tpu.memory_space<vmem>>
        %dma_start3A_289 = arith.constant 0 : i32
        %dma_start3A_290 = arith.constant 0 : i32
        %dma_start3A_291 = tpu.memref_slice %arg4[%dma_start3A_289, %dma_start3A_290] : memref<10000x128xf32, #tpu.memory_space<hbm>> -> memref<10000x128xf32, #tpu.memory_space<hbm>>
        tpu.enqueue_indirect_dma source(%dma_start3A_291 : memref<10000x128xf32, #tpu.memory_space<hbm>>) target(%dma_start3A_287 : memref<40x128xf32, #tpu.memory_space<vmem>>) offsets(%dma_start3A_288 : memref<40xi32, #tpu.memory_space<vmem>>) semaphore(%arg15 : memref<!tpu.dma_semaphore, #tpu.memory_space<semaphore_mem>>)
      } else {
      }
      %mul3A_254 = arith.constant 40 : i32
      %mul3A_255 = arith.muli %add3A_187, %mul3A_254 : i32
      %dma_wait3A_256 = arith.constant 1 : i32
      %dma_wait3A_257 = arith.constant 0 : i32
      %dma_wait3A_258 = arith.constant 0 : i32
      %dma_wait3A_259 = tpu.memref_slice %arg9[%dma_wait3A_256, %dma_wait3A_257, %dma_wait3A_258] : memref<2x40x128xf32, #tpu.memory_space<vmem>> -> memref<1x40x128xf32, #tpu.memory_space<vmem>>
      %dma_wait3A_260 = tpu.memref_squeeze %dma_wait3A_259 : memref<1x40x128xf32, #tpu.memory_space<vmem>> -> memref<40x128xf32, #tpu.memory_space<vmem>>
      %dma_wait3A_261 = tpu.memref_slice %arg8[%mul3A_255] : memref<10000xi32, #tpu.memory_space<vmem>> -> memref<40xi32, #tpu.memory_space<vmem>>
      %dma_wait3A_262 = arith.constant 0 : i32
      %dma_wait3A_263 = arith.constant 0 : i32
      %dma_wait3A_264 = tpu.memref_slice %arg13[%dma_wait3A_262, %dma_wait3A_263] : memref<10240x128xf32, #tpu.memory_space<vmem_shared>> -> memref<10240x128xf32, #tpu.memory_space<vmem_shared>>
      tpu.wait_indirect_dma semaphore(%arg18 : memref<!tpu.dma_semaphore, #tpu.memory_space<semaphore_mem>>) src(%dma_wait3A_260 : memref<40x128xf32, #tpu.memory_space<vmem>>) dst(%dma_wait3A_264 : memref<10240x128xf32, #tpu.memory_space<vmem_shared>>)
      %mul3A_265 = arith.constant 2 : i32
      %mul3A_266 = arith.muli %scan3A_181, %mul3A_265 : i32
      %mul3A_267 = arith.constant 40 : i32
      %mul3A_268 = arith.muli %mul3A_266, %mul3A_267 : i32
      %dma_wait3A_269 = tpu.memref_slice %arg8[%mul3A_268] : memref<10000xi32, #tpu.memory_space<vmem>> -> memref<80xi32, #tpu.memory_space<vmem>>
      %dma_wait3A_270 = arith.constant 0 : i32
      %dma_wait3A_271 = tpu.memref_slice %arg14[%dma_wait3A_270] : memref<10240xf32, #tpu.memory_space<vmem_shared>> -> memref<10240xf32, #tpu.memory_space<vmem_shared>>
      tpu.wait_indirect_dma semaphore(%arg19 : memref<!tpu.dma_semaphore, #tpu.memory_space<semaphore_mem>>) src(%arg10 : memref<80xf32, #tpu.memory_space<vmem>>) dst(%dma_wait3A_271 : memref<10240xf32, #tpu.memory_space<vmem_shared>>)
      %add3A_272 = arith.constant 2 : i32
      %add3A_273 = arith.addi %add3A_187, %add3A_272 : i32
      %lt3A_274 = arith.constant 250 : i32
      %lt3A_275 = arith.cmpi slt, %add3A_273, %lt3A_274 : i32
      %convert_element_type3A_276 = arith.extui %lt3A_275 : i1 to i32
      %cond3A_277 = arith.constant 0 : i32
      %cond3A_278 = arith.cmpi ne, %convert_element_type3A_276, %cond3A_277 : i32
      scf.if %cond3A_278 {
        %add3A_279 = arith.constant 2 : i32
        %add3A_280 = arith.addi %add3A_187, %add3A_279 : i32
        %mul3A_281 = arith.constant 40 : i32
        %mul3A_282 = arith.muli %add3A_280, %mul3A_281 : i32
        %dma_start3A_283 = arith.constant 1 : i32
        %dma_start3A_284 = arith.constant 0 : i32
        %dma_start3A_285 = arith.constant 0 : i32
        %dma_start3A_286 = tpu.memref_slice %arg9[%dma_start3A_283, %dma_start3A_284, %dma_start3A_285] : memref<2x40x128xf32, #tpu.memory_space<vmem>> -> memref<1x40x128xf32, #tpu.memory_space<vmem>>
        %dma_start3A_287 = tpu.memref_squeeze %dma_start3A_286 : memref<1x40x128xf32, #tpu.memory_space<vmem>> -> memref<40x128xf32, #tpu.memory_space<vmem>>
        %dma_start3A_288 = tpu.memref_slice %arg7[%mul3A_282] : memref<10000xi32, #tpu.memory_space<vmem>> -> memref<40xi32, #tpu.memory_space<vmem>>
        %dma_start3A_289 = arith.constant 0 : i32
        %dma_start3A_290 = arith.constant 0 : i32
        %dma_start3A_291 = tpu.memref_slice %arg4[%dma_start3A_289, %dma_start3A_290] : memref<10000x128xf32, #tpu.memory_space<hbm>> -> memref<10000x128xf32, #tpu.memory_space<hbm>>
        tpu.enqueue_indirect_dma source(%dma_start3A_291 : memref<10000x128xf32, #tpu.memory_space<hbm>>) target(%dma_start3A_287 : memref<40x128xf32, #tpu.memory_space<vmem>>) offsets(%dma_start3A_288 : memref<40xi32, #tpu.memory_space<vmem>>) semaphore(%arg16 : memref<!tpu.dma_semaphore, #tpu.memory_space<semaphore_mem>>)
      } else {
      }
    }
    %scan3A_171 = arith.constant 125 : i32
    %barrier3A_172 = arith.constant 0 : index
    tpu.barrier barrier_id(%barrier3A_172)
    %mul3A_173 = arith.constant 640 : i32
    %mul3A_174 = arith.muli %arg1, %mul3A_173 : i32
    %mul3A_175 = arith.constant 640 : i32
    %mul3A_176 = arith.muli %arg1, %mul3A_175 : i32
    "tpu.region"() ({
      %run_scoped3A = tpu.sem_alloc : memref<!tpu.dma_semaphore, #tpu.memory_space<semaphore_mem>>
      %dma_start3A_181 = arith.constant 0 : i32
      %dma_start3A_182 = tpu.memref_slice %arg5[%arg0, %mul3A_176, %dma_start3A_181] : memref<2x10240x128xf32, #tpu.memory_space<hbm>> -> memref<1x640x128xf32, #tpu.memory_space<hbm>>
      %dma_start3A_183 = tpu.memref_squeeze %dma_start3A_182 : memref<1x640x128xf32, #tpu.memory_space<hbm>> -> memref<640x128xf32, #tpu.memory_space<hbm>>
      %dma_start3A_184 = arith.constant 0 : i32
      %dma_start3A_185 = tpu.memref_slice %arg13[%mul3A_174, %dma_start3A_184] : memref<10240x128xf32, #tpu.memory_space<vmem_shared>> -> memref<640x128xf32, #tpu.memory_space<vmem_shared>>
      tpu.enqueue_dma source(%dma_start3A_185 : memref<640x128xf32, #tpu.memory_space<vmem_shared>>) target(%dma_start3A_183 : memref<640x128xf32, #tpu.memory_space<hbm>>) target_semaphore(%run_scoped3A : memref<!tpu.dma_semaphore, #tpu.memory_space<semaphore_mem>>)
      %dma_wait3A_186 = arith.constant 0 : i32
      %dma_wait3A_187 = tpu.memref_slice %arg5[%arg0, %mul3A_176, %dma_wait3A_186] : memref<2x10240x128xf32, #tpu.memory_space<hbm>> -> memref<1x640x128xf32, #tpu.memory_space<hbm>>
      %dma_wait3A_188 = tpu.memref_squeeze %dma_wait3A_187 : memref<1x640x128xf32, #tpu.memory_space<hbm>> -> memref<640x128xf32, #tpu.memory_space<hbm>>
      %dma_wait3A_189 = arith.constant 0 : i32
      %dma_wait3A_190 = tpu.memref_slice %arg13[%mul3A_174, %dma_wait3A_189] : memref<10240x128xf32, #tpu.memory_space<vmem_shared>> -> memref<640x128xf32, #tpu.memory_space<vmem_shared>>
      tpu.wait_dma2 semaphore(%run_scoped3A : memref<!tpu.dma_semaphore, #tpu.memory_space<semaphore_mem>>) src(%dma_wait3A_190 : memref<640x128xf32, #tpu.memory_space<vmem_shared>>) dst(%dma_wait3A_188 : memref<640x128xf32, #tpu.memory_space<hbm>>)
      tpu.yield
    }) : () -> ()
    %mul3A_177 = arith.constant 640 : i32
    %mul3A_178 = arith.muli %arg1, %mul3A_177 : i32
    %mul3A_179 = arith.constant 640 : i32
    %mul3A_180 = arith.muli %arg1, %mul3A_179 : i32
    "tpu.region"() ({
      %run_scoped3A = tpu.sem_alloc : memref<!tpu.dma_semaphore, #tpu.memory_space<semaphore_mem>>
      %dma_start3A_181 = tpu.memref_slice %arg6[%arg0, %mul3A_180] : memref<2x10240xf32, #tpu.memory_space<hbm>> -> memref<1x640xf32, #tpu.memory_space<hbm>>
      %dma_start3A_182 = tpu.memref_squeeze %dma_start3A_181 : memref<1x640xf32, #tpu.memory_space<hbm>> -> memref<640xf32, #tpu.memory_space<hbm>>
      %dma_start3A_183 = tpu.memref_slice %arg14[%mul3A_178] : memref<10240xf32, #tpu.memory_space<vmem_shared>> -> memref<640xf32, #tpu.memory_space<vmem_shared>>
      tpu.enqueue_dma source(%dma_start3A_183 : memref<640xf32, #tpu.memory_space<vmem_shared>>) target(%dma_start3A_182 : memref<640xf32, #tpu.memory_space<hbm>>) target_semaphore(%run_scoped3A : memref<!tpu.dma_semaphore, #tpu.memory_space<semaphore_mem>>)
      %dma_wait3A_184 = tpu.memref_slice %arg6[%arg0, %mul3A_180] : memref<2x10240xf32, #tpu.memory_space<hbm>> -> memref<1x640xf32, #tpu.memory_space<hbm>>
      %dma_wait3A_185 = tpu.memref_squeeze %dma_wait3A_184 : memref<1x640xf32, #tpu.memory_space<hbm>> -> memref<640xf32, #tpu.memory_space<hbm>>
      %dma_wait3A_186 = tpu.memref_slice %arg14[%mul3A_178] : memref<10240xf32, #tpu.memory_space<vmem_shared>> -> memref<640xf32, #tpu.memory_space<vmem_shared>>
      tpu.wait_dma2 semaphore(%run_scoped3A : memref<!tpu.dma_semaphore, #tpu.memory_space<semaphore_mem>>) src(%dma_wait3A_186 : memref<640xf32, #tpu.memory_space<vmem_shared>>) dst(%dma_wait3A_185 : memref<640xf32, #tpu.memory_space<hbm>>)
      tpu.yield
    }) : () -> ()
    return
  }
}

module attributes {stable_mosaic.version = 14 : i64} {
  func.func @body(%arg0: memref<2x10240x128xf32, #tpu.memory_space<vmem>>, %arg1: memref<2x10240xf32, #tpu.memory_space<vmem>>, %arg2: memref<128x128xf32, #tpu.memory_space<vmem>>, %arg3: memref<1x128xf32, #tpu.memory_space<vmem>>, %arg4: memref<10000x128xf32, #tpu.memory_space<vmem>>) attributes {dimension_semantics = [], scalar_prefetch = 0 : i64, scratch_operands = 0 : i64, tpu.core_type = #tpu.core_type<tc>} {
    %get3A = arith.constant 0 : index
    %get3A_0 = arith.constant 0 : index
    %get3A_1 = arith.constant 0 : index
    %get3A_2 = vector.load %arg0[%get3A, %get3A_0, %get3A_1] : memref<2x10240x128xf32, #tpu.memory_space<vmem>>, vector<1x10000x128xf32>
    %get3A_3 = vector.shape_cast %get3A_2 : vector<1x10000x128xf32> to vector<10000x128xf32>
    %get3A_4 = arith.constant 1 : index
    %get3A_5 = arith.constant 0 : index
    %get3A_6 = arith.constant 0 : index
    %get3A_7 = vector.load %arg0[%get3A_4, %get3A_5, %get3A_6] : memref<2x10240x128xf32, #tpu.memory_space<vmem>>, vector<1x10000x128xf32>
    %get3A_8 = vector.shape_cast %get3A_7 : vector<1x10000x128xf32> to vector<10000x128xf32>
    %add3A = arith.addf %get3A_3, %get3A_8 : vector<10000x128xf32>
    %get3A_9 = arith.constant 0 : index
    %get3A_10 = arith.constant 0 : index
    %get3A_11 = vector.load %arg1[%get3A_9, %get3A_10] : memref<2x10240xf32, #tpu.memory_space<vmem>>, vector<1x10240xf32>
    %get3A_12 = vector.shape_cast %get3A_11 : vector<1x10240xf32> to vector<10240xf32>
    %get3A_13 = arith.constant 1 : index
    %get3A_14 = arith.constant 0 : index
    %get3A_15 = vector.load %arg1[%get3A_13, %get3A_14] : memref<2x10240xf32, #tpu.memory_space<vmem>>, vector<1x10240xf32>
    %get3A_16 = vector.shape_cast %get3A_15 : vector<1x10240xf32> to vector<10240xf32>
    %add3A_17 = arith.addf %get3A_12, %get3A_16 : vector<10240xf32>
    %slice3A = vector.extract_strided_slice %add3A_17 {offsets = [0], sizes = [10000], strides = [1]} : vector<10240xf32> to vector<10000xf32>
    %max3A = arith.constant 1.000000e+00 : f32
    %max3A_18 = vector.broadcast %max3A : f32 to vector<10000xf32>
    %max3A_19 = arith.maximumf %slice3A, %max3A_18 : vector<10000xf32>
    %reshape3A = vector.shape_cast %max3A_19 : vector<10000xf32> to vector<10000x1xf32>
    %div3A = vector.broadcast %reshape3A : vector<10000x1xf32> to vector<10000x128xf32>
    %div3A_20 = arith.divf %add3A, %div3A : vector<10000x128xf32>
    %get3A_21 = arith.constant 0 : index
    %get3A_22 = arith.constant 0 : index
    %get3A_23 = vector.load %arg2[%get3A_21, %get3A_22] : memref<128x128xf32, #tpu.memory_space<vmem>>, vector<128x128xf32>
    %dot_general3A = arith.constant dense<0.000000e+00> : vector<10000x128xf32>
    %dot_general3A_24 = tpu.matmul %div3A_20, %get3A_23, %dot_general3A {dimension_numbers = #tpu.dot_dimension_numbers<[1], [1], [0], [0], [0, 0, 1, 0], [], []>, transpose_lhs_hint = false} : vector<10000x128xf32>, vector<128x128xf32>, vector<10000x128xf32> -> vector<10000x128xf32>
    %get3A_25 = arith.constant 0 : index
    %get3A_26 = arith.constant 0 : index
    %get3A_27 = vector.load %arg3[%get3A_25, %get3A_26] : memref<1x128xf32, #tpu.memory_space<vmem>>, vector<1x128xf32>
    %add3A_28 = vector.broadcast %get3A_27 : vector<1x128xf32> to vector<10000x128xf32>
    %add3A_29 = arith.addf %dot_general3A_24, %add3A_28 : vector<10000x128xf32>
    %max3A_30 = arith.constant 0.000000e+00 : f32
    %max3A_31 = vector.broadcast %max3A_30 : f32 to vector<10000x128xf32>
    %max3A_32 = arith.maximumf %add3A_29, %max3A_31 : vector<10000x128xf32>
    %swap3A = arith.constant 0 : index
    %swap3A_33 = arith.constant 0 : index
    %swap3A_34 = vector.load %arg4[%swap3A, %swap3A_33] : memref<10000x128xf32, #tpu.memory_space<vmem>>, vector<10000x128xf32>
    tpu.vector_store %arg4[%swap3A, %swap3A_33], %max3A_32 {strides = array<i32>} : memref<10000x128xf32, #tpu.memory_space<vmem>>, vector<10000x128xf32>,
    return
  }
}

</mosaic_0001>

<sc_bundles>
// kernel: kernel.4.cloned.1.call-start
scs
__scs_entry_jumppad:
0x0: {  	(pc) =	sbr.rel $0x88, $3  }
0x1: {  	(tag) =	ssettag $0x0;
	lr =	simm.s32 $0x1  }
0x2: {  	[smem:$0x3F9D] =	sst lr;
	_ =	strace $0xD0000000  }
0x3: {  	_ = 	snop  }
0x4: {  	_ = 	snop  }
0x5: {  	_ = 	snop  }
0x6: {  	_ = 	snop  }
0x7: {  	_ = 	snop  }
__scs_overlays_trampoline_lowered:
0x8: {  	[smem:$0x3FAC] =	sst s0  }
0x9: {  	[smem:$0x3FAD] =	sst s1  }
0xa: {  	[smem:$0x3FAE] =	sst s2  }
0xb: {  	[smem:$0x3FAF] =	sst s3  }
0xc: {  	[smem:$0x3FB0] =	sst s4  }
0xd: {  	[smem:$0x3FB1] =	sst s5  }
0xe: {  	[smem:$0x3FB2] =	sst s6  }
0xf: {  	[smem:$0x3FB3] =	sst s7  }
0x10: {  	[smem:$0x3FB4] =	sst s8  }
0x11: {  	[smem:$0x3FB5] =	sst s9;
	s0 =	simm.s32 @!p0 $0x0  }
0x12: {  	s1 =	sld [smem:$0x3F9B];
	s0 =	simm.s32 @p0 $0x1  }
0x13: {  	[smem:$0x3FB6] =	sst s0;
	s0 =	simm.s32 @!p1 $0x0  }
0x14: {  	s2 =	sld [smem:$0x3F9A];
	s0 =	simm.s32 @p1 $0x1  }
0x15: {  	[smem:$0x3FB7] =	sst s0;
	s0 =	simm.s32 @!p2 $0x0  }
0x16: {  	s3 =	sld [smem:$0x3FDB];
	s0 =	simm.s32 @p2 $0x1  }
0x17: {  	s4 =	simm.s32 $0x1BF5;
	[smem:$0x3FB9] =	sst s0  }
0x18: {  	s0 =	sld [smem:$0x3F9C];
	_ =	swait.ge [sflag:s4], $0x0  }
0x19: {  	s7 =	sld [smem:$0x3F9D]  }
0x1a: {  	s8 =	sadd.s32 $0xFFFFE003, lr  }
0x1b: {  	s9 =	sadd.s32 $0xFFFFFEF7, lr;
	s5 =	simm.s32 $0xFFFFFFFF;
	p2 =	slt.u32 s8, $0xFFFFF086  }
0x1c: {  	p1 =	slt.u32 s9, $0xF7A;
	s5 =	simm.s32 @!p2 $0x0  }
0x1d: {  	s5 =	simm.s32 @p1 $0x1;
	p0 =	seq.s32 s7, s2  }
0x1e: {  	s7 =	smul.u32 @!p0 $0xF7A, s2;
	p2 =	seq.s32 @!p0 s5, $0x0  }
0x1f: {  	s9 =	smul.u32 $0xF7A, s1;
	s8 =	simm.s32 @!p0 $0x1BF5;
	p2 =	por !p2, p0  }
0x20: {  	[sflag:s8] =	ssyncset.s32 @!p0 $0xFFFFF086;
	s6 =	sadd.s32 @!p0 s3, s7;
	s7 =	simm.s32 @!p0 $0x108  }
0x21: {  	s3 =	sadd.s32 s3, s9;
	s6 =	sadd.s32 @!p0 $0x88, s6;
	s7 =	simm.s32 @p2 $0x1082  }
0x22: {  	[simem:s7], [sflag:s8] =	dma.local @!p0 [hbm:s6], $0xF7A  }
0x23: {  	s9 =	sor.u32 $0xD0000000, s2;
	s6 =	simm.s32 $0x108;
	_ =	swait.ge @!p0 [sflag:s8], $0x0  }
0x24: {  	s3 =	sadd.s32 $0x88, s3;
	s6 =	simm.s32 @!p1 $0x1082;
	[sflag:s4] =	ssyncset.s32 $0xFFFFF086  }
0x25: {  	[simem:s6], [sflag:s4] =	dma.local [hbm:s3], $0xF7A  }
0x26: {  	[smem:$0x3F9D] =	sst s1;
	(tag) =	ssettag s2;
	_ =	strace s9  }
0x27: {  	s1 =	sld [smem:$0x3FAD]  }
0x28: {  	s2 =	sld [smem:$0x3FAE]  }
0x29: {  	s4 =	sld [smem:$0x3FB0]  }
0x2a: {  	p0 =	seq.s32 s5, $0x0;
	s5 =	sld [smem:$0x3FB1]  }
0x2b: {  	s6 =	sld [smem:$0x3FB2]  }
0x2c: {  	s7 =	sld [smem:$0x3FB3]  }
0x2d: {  	s3 =	simm.s32 $0x108;
	s8 =	sld [smem:$0x3FB4]  }
0x2e: {  	s3 =	simm.s32 @!p0 $0x1082;
	s9 =	sld [smem:$0x3FB5]  }
0x2f: {  	lr =	sadd.s32 s0, s3;
	s0 =	sld [smem:$0x3FAC]  }
0x30: {  	s3 =	sld [smem:$0x3FAF]  }
0x31: {  	[smem:$0x3FB8] =	sst s10  }
0x32: {  	s10 =	sld [smem:$0x3FB6];
	_ =	sdelay $0x3  }
0x33: {  	p0 =	seq.s32 s10, $0x1;
	s10 =	sld [smem:$0x3FB8];
	_ =	sdelay $0x3  }
0x34: {  	[smem:$0x3FB8] =	sst s10  }
0x35: {  	s10 =	sld [smem:$0x3FB7];
	_ =	sdelay $0x3  }
0x36: {  	p1 =	seq.s32 s10, $0x1;
	s10 =	sld [smem:$0x3FB8];
	_ =	sdelay $0x3  }
0x37: {  	[smem:$0x3FB8] =	sst s10  }
0x38: {  	s10 =	sld [smem:$0x3FB9]  }
0x39: {  	_ = 	snop;
	(pc) =	sbr.ind lr, $3  }
0x3a: {  	_ = 	snop  }
0x3b: {  	_ = 	snop  }
0x3c: {  	p2 =	seq.s32 s10, $0x1;
	s10 =	sld [smem:$0x3FB8]  }
0x3d: {  	_ =	shalt  }
0x3e: {  	_ =	shalt  }
0x3f: {  	_ =	shalt  }
0x40: {  	_ =	shalt  }
0x41: {  	_ =	shalt  }
0x42: {  	_ =	shalt  }
0x43: {  	_ =	shalt  }
0x44: {  	_ =	shalt  }
0x45: {  	_ =	shalt  }
0x46: {  	_ =	shalt  }
0x47: {  	_ =	shalt  }
0x48: {  	_ =	shalt  }
0x49: {  	_ =	shalt  }
0x4a: {  	_ =	shalt  }
0x4b: {  	_ =	shalt  }
0x4c: {  	_ =	shalt  }
0x4d: {  	_ =	shalt  }
0x4e: {  	_ =	shalt  }
0x4f: {  	_ =	shalt  }
0x50: {  	_ =	shalt  }
0x51: {  	_ =	shalt  }
0x52: {  	_ =	shalt  }
0x53: {  	_ =	shalt  }
0x54: {  	_ =	shalt  }
0x55: {  	_ =	shalt  }
0x56: {  	_ =	shalt  }
0x57: {  	_ =	shalt  }
0x58: {  	_ =	shalt  }
0x59: {  	_ =	shalt  }
0x5a: {  	_ =	shalt  }
0x5b: {  	_ =	shalt  }
0x5c: {  	_ =	shalt  }
0x5d: {  	_ =	shalt  }
0x5e: {  	_ =	shalt  }
0x5f: {  	_ =	shalt  }
0x60: {  	_ =	shalt  }
0x61: {  	_ =	shalt  }
0x62: {  	_ =	shalt  }
0x63: {  	_ =	shalt  }
0x64: {  	_ =	shalt  }
0x65: {  	_ =	shalt  }
0x66: {  	_ =	shalt  }
0x67: {  	_ =	shalt  }
0x68: {  	_ =	shalt  }
0x69: {  	_ =	shalt  }
0x6a: {  	_ =	shalt  }
0x6b: {  	_ =	shalt  }
0x6c: {  	_ =	shalt  }
0x6d: {  	_ =	shalt  }
0x6e: {  	_ =	shalt  }
0x6f: {  	_ =	shalt  }
0x70: {  	_ =	shalt  }
0x71: {  	_ =	shalt  }
0x72: {  	_ =	shalt  }
0x73: {  	_ =	shalt  }
0x74: {  	_ =	shalt  }
0x75: {  	_ =	shalt  }
0x76: {  	_ =	shalt  }
0x77: {  	_ =	shalt  }
0x78: {  	_ =	shalt  }
0x79: {  	_ =	shalt  }
0x7a: {  	_ =	shalt  }
0x7b: {  	_ =	shalt  }
0x7c: {  	_ =	shalt  }
0x7d: {  	_ =	shalt  }
0x7e: {  	_ =	shalt  }
0x7f: {  	_ =	shalt  }
0x80: {  	_ =	shalt  }
0x81: {  	_ =	shalt  }
0x82: {  	_ =	shalt  }
0x83: {  	_ =	shalt  }
0x84: {  	_ =	shalt  }
0x85: {  	_ =	shalt  }
0x86: {  	_ =	shalt  }
0x87: {  	_ =	shalt  }
.Lfunc_end0:
.L_simem_size_0:
called_computation_lowered:
.L_overlay_start_0:
0x88: {  	s2 =	sld [smem:$0x3FD9]  }
0x89: {  	s3 =	sld [smem:$0x3FFE];
	_ =	sdelay $0x1  }
0x8a: {  	s1 =	srdreg.scid  }
0x8b: {  	s0 =	sand.u32 $0x1, s1  }
0x8c: {  	s17 =	sshll.u32 s0, $0xA;
	s2 =	sadd.s32 s3, s2  }
0x8d: {  	s2 =	sadd.s32 s2, s17  }
0x8e: {  	[smem:$0x3FC4] =	sst s2  }
0x8f: {  	_ = 	snop  }
0x90: {  	s2 =	sld [smem:$0x3FC9]  }
0x91: {  	s18 =	sld [smem:$0x3FD0];
	(tm) =	ssettm $0x1  }
0x92: {  	s4 =	sld [smem:$0x3FFB];
	_ =	sdelay $0x3  }
0x93: {  	_ =	strace s4  }
0x94: {  	s4 =	sld [smem:$0x3FFC];
	_ =	sdelay $0x3  }
0x95: {  	_ =	strace s4  }
0x96: {  	s4 =	sld [smem:$0x3FFD];
	_ =	sdelay $0x3  }
0x97: {  	_ =	strace s4  }
0x98: {  	_ =	strace $0x8FFFFFFF  }
0x99: {  	s19 =	sld [smem:$0x3FDB];
	_ =	sdelay $0x1  }
0x9a: {  	s5 =	simm.s32 $_scs_section_size  }
0x9b: {  	s6 =	simm.s32 $_size__tile_overlayer_lowered;
	s7 =	simm.s32 $_tile_overlayer_lowered  }
0x9c: {  	s22 =	simm.s32 $0x1BFF;
	s21 =	sshll.u32 s7, $0x1;
	s4 =	sadd.s32 s5, s19  }
0x9d: {  	s8 =	simm.s32 $0x0;
	s20 =	sshll.u32 s6, $0x1;
	s6 =	sadd.s32 s21, s4  }
0x9e: {  	[timem:s8], [sflag:s22] =	dma.local [hbm:s6], s20  }
0x9f: {  	_ =	swait.ge [sflag:s22], s20  }
0xa0: {  	s5 =	ssub.s32 $0x0, s20;
	[sflag:s22] =	ssyncset.done $0x0  }
0xa1: {  	[sflag:s22] =	ssyncadd.s32 s5;
	_ =	sdelay $0x1  }
0xa2: {  	s23 =	simm.s32 $0x1B8B  }
0xa3: {  	_ =	swait.ge [sflag:s23], $0x1  }
0xa4: {  	[sflag:s23] =	ssyncset.done $0x0  }
0xa5: {  	s25 =	simm.s32 $0x1B8E;
	s24 =	sld [smem:$0x3FFE];
	[sflag:s23] =	ssyncadd.s32 $0xFFFFFFFF  }
0xa6: {  	s26 =	simm.s32 $execute0_lowered;
	[smem:$0x3FD2] =	sst s25  }
0xa7: {  	s6 =	sshll.u32 s26, $0x1;
	_ =	strace $0x80000046;
	[dreg:$0x1] =	wrdreg $0xFFFFFFFF  }
0xa8: {  	s28 =	simm.s32 $_size_execute0_lowered;
	s4 =	sadd.s32 s4, s6;
	[dreg:$0x0] =	wrdreg $0x0  }
0xa9: {  	s6 =	sshll.u32 s28, $0x1;
	[dreg:$0x2] =	wrdreg s4  }
0xaa: {  	[dreg:$0x3] =	wrdreg s6  }
0xab: {  	[dreg:$0x4] =	wrdreg $0xC0  }
0xac: {  	_ =	task [dreg:s8], $0x5FFFF  }
0xad: {  	[dreg:$0x1] =	wrdreg $0xFFFFFFFF  }
0xae: {  	[dreg:$0x0] =	wrdreg $0x60  }
0xaf: {  	[dreg:$0x2] =	wrdreg s18  }
0xb0: {  	[dreg:$0x3] =	wrdreg s24  }
0xb1: {  	[dreg:$0x4] =	wrdreg s2  }
0xb2: {  	[dreg:$0x5] =	wrdreg $0x8A000  }
0xb3: {  	[dreg:$0x6] =	wrdreg $0x1CA000  }
0xb4: {  	[dreg:$0x7] =	wrdreg $0x9  }
0xb5: {  	_ =	task.clear_ibuf [dreg:s8], $0x8FFFF;
	_ =	strace $0x90000046  }
0xb6: {  	s29 =	simm.s32 $0x9;
	_ =	strace $0x80000048  }
0xb7: {  	_ =	swait.ge [sflag:s29], $0x1  }
0xb8: {  	[sflag:s29] =	ssyncadd.s32 $0xFFFFFFFF  }
0xb9: {  	_ =	strace $0x90000048  }
0xba: {  	_ =	sfence  }
0xbb: {  	s30 =	sld [smem:$0x0];
	_ =	sdelay $0x2  }
0xbc: {  	s31 =	sshll.u32 s1, $0xD;
	s1 =	sshrl.u32 s1, $0x2  }
0xbd: {  	s3 =	sand.u32 $0x4000, s31;
	s1 =	sadd.s32 s1, s30  }
0xbe: {  	s0 =	sor.u32 s3, s0;
	s1 =	sshll.u32 s1, $0x11  }
0xbf: {  	s0 =	sor.u32 s1, s0  }
0xc0: {  	s0 =	sadd.s32 $0x8F2B, s0  }
0xc1: {  	[sflag:s0] =	ssyncadd.remote.s32 $0x1  }
0xc2: {  	_ =	sfence.sel $0xFFFF  }
0xc3: {  	[dreg:$0x0] =	wrdreg $0xFFFFFFFF;
	(pc) =	sbr.abs _section_cstart, $3  }
0xc4: {  	[dreg:$0x1] =	wrdreg $0xFFFFFFFF  }
0xc5: {  	_ =	task.clear_ibuf [dreg:s8], $0x2FFFF;
	_ =	strace $0x9FFFFFFF  }
0xc6: {  	(tm) =	ssettm $0x7FFFFFFF  }
0xc7: {  	_ =	shalt  }
tec
execute0_lowered:
.L_overlay_start_1:
0x0: {  	(tag) =	ssettag $0x1  }
0x1: {  	s0 =	rddreg [dreg:$0x0]  }
0x2: {  	s2 =	rddreg [dreg:$0x1];
	s12 =	stileid.u32  }
0x3: {  	s3 =	srdreg.scid;
	s9 =	smul.u32 $0x14000, s12  }
0x4: {  	s1 =	rddreg [dreg:$0x2];
	s10 =	smul.u32 $0x500, s12  }
0x5: {  	s6 =	sand.u32 $0x1, s3;
	s4 =	sshll.u32 s12, $0x1;
	s24 =	smul.u32 $0x50000, s12  }
0x6: {  	s3 =	rddreg [dreg:$0x3];
	s5 =	sor.u32 s6, s4;
	s8 =	smul.u32 $0x140000, s6  }
0x7: {  	s4 =	rddreg [dreg:$0x4];
	s7 =	smul.u32 $0x4F0, s5;
	s5 =	simm.s32 $0x0  }
0x8: {  	s23 =	sshll.u32 s6, $0x7;
	[smem:$0x7FF] =	sst s5  }
0x9: {  	s8 =	sadd.s32 s9, s8;
	s9 =	sor.u32 s23, s10;
	s10 =	sshrl.u32 s24, $0x2  }
0xa: {  	_ =	strace $0x80000047;
	s11 =	sadd.s32 s7, s2;
	s8 =	sshrl.u32 s8, $0x3  }
0xb: {  	s9 =	sshrl.u32 s9, $0x3;
	s0 =	sadd.s32 s0, s7;
	s7 =	sadd.s32 s10, s3  }
0xc: {  	s8 =	sadd.s32 s8, s2;
	[dreg:$0x6] =	wrdreg s0;
	s26 =	sadd.s32 $0x800, s11  }
0xd: {  	s2 =	sadd.s32 s9, s2;
	s9 =	sadd.s32 $0x1000, s7;
	[dreg:$0x7] =	wrdreg s26  }
0xe: {  	s10 =	sadd.s32 $0x2000, s7;
	[dreg:$0x8] =	wrdreg s9  }
0xf: {  	s11 =	sadd.s32 $0x3000, s7;
	[dreg:$0x9] =	wrdreg s10  }
0x10: {  	s17 =	smul.u32 $0xA00, s12;
	s13 =	sadd.s32 $0x4000, s7;
	[dreg:$0xa] =	wrdreg s11  }
0x11: {  	s12 =	simm.s32 $0x1;
	s14 =	sadd.s32 $0x5000, s7;
	[dreg:$0xb] =	wrdreg s13  }
0x12: {  	s6 =	ssub.s32 $0x2, s6;
	s15 =	sadd.s32 $0x6000, s7;
	[dreg:$0xc] =	wrdreg s14  }
0x13: {  	s25 =	sshrl.u32 s6, $0x1;
	s16 =	sadd.s32 $0x7000, s7;
	[dreg:$0xd] =	wrdreg s15  }
0x14: {  	s6 =	ssub.s32 s6, s25;
	s18 =	sadd.s32 $0x8000, s7;
	[dreg:$0xe] =	wrdreg s16  }
0x15: {  	s19 =	sadd.s32 $0x9000, s7;
	s20 =	sadd.s32 $0xA000, s7;
	[dreg:$0xf] =	wrdreg s18  }
0x16: {  	s21 =	sadd.s32 $0xB000, s7;
	s22 =	sadd.s32 $0xC000, s7;
	[dreg:$0x10] =	wrdreg s19  }
0x17: {  	s0 =	sshrl.u32 s17, $0x2;
	s23 =	sadd.s32 $0xD000, s7;
	[dreg:$0x11] =	wrdreg s20  }
0x18: {  	s28 =	sadd.s32 $0xF000, s7;
	s29 =	sadd.s32 $0x10000, s7;
	[dreg:$0x12] =	wrdreg s21  }
0x19: {  	s30 =	sadd.s32 $0x11000, s7;
	s31 =	sadd.s32 $0x12000, s7;
	[dreg:$0x13] =	wrdreg s22  }
0x1a: {  	s17 =	simm.s32 $0x4;
	[dreg:$0x14] =	wrdreg s23;
	s22 =	sadd.s32 s0, s4  }
0x1b: {  	s24 =	sadd.s32 $0xA600, s8;
	s25 =	sadd.s32 $0x5A600, s2;
	s26 =	smax.u32 s6, $0x1  }
0x1c: {  	s2 =	sadd.s32 $0x13000, s7;
	s0 =	simm.s32 $0x6;
	s6 =	simm.s32 $0x28  }
0x1d: {  	s8 =	simm.s32 $0x4F00;
	s9 =	simm.s32 $0x6300;
	s10 =	simm.s32 $0x7780  }
0x1e: {  	s11 =	simm.s32 $0x7;
	s13 =	simm.s32 $0x50;
	s14 =	simm.s32 $0x7700  }
0x1f: {  	s15 =	simm.s32 $0x2;
	s16 =	simm.s32 $0x3;
	[dreg:$0x15] =	wrdreg s24  }
0x20: {  	s18 =	simm.s32 $0x5;
	s19 =	simm.s32 $0x4E40;
	[dreg:$0x16] =	wrdreg s25  }
0x21: {  	v0 =	vimm.f32 $1.000000000e+00;
	v1 =	vimm.f32 $0.0e+00;
	[dreg:$0x17] =	wrdreg s26;
	s26 =	sadd.s32 $0xE000, s7;
	s24 =	simm.s32 $0x10  }
.LBB2_1:
0x22: {  	[tilespmem:$0x7700] =	vst v0  }
0x23: {  	[tilespmem:$0x7710] =	vst v0  }
0x24: {  	[tilespmem:$0x7720] =	vst v0  }
0x25: {  	[tilespmem:$0x7730] =	vst v0  }
0x26: {  	[tilespmem:$0x7740] =	vst v0;
	s20 =	simm.s32 $0x0;
	s21 =	simm.s32 $0x200  }
.LBB2_2:
0x27: {  	p0 =	sne.s32 s21, $0x3E00;
	[tilespmem:s20+$0x77F0] =	vst v1  }
0x28: {  	[tilespmem:s20+$0x7780] =	vst v1  }
0x29: {  	[tilespmem:s20+$0x7790] =	vst v1  }
.Ltmp0:
0x2a: {  	[tilespmem:s20+$0x77A0] =	vst v1;
	(pc) =	sbr.rel @p0 .LBB2_2-.Ltmp0, $4  }
0x2b: {  	[tilespmem:s20+$0x77B0] =	vst v1  }
0x2c: {  	[tilespmem:s20+$0x77C0] =	vst v1  }
0x2d: {  	[tilespmem:s20+$0x77D0] =	vst v1  }
0x2e: {  	[tilespmem:s20+$0x77E0] =	vst v1;
	s20 =	sshra.s32 s21, $0x2;
	s21 =	sadd.s32 $0x200, s21  }
0x2f: {  	[tilespmem:s20+$0x77F0] =	vst v1  }
0x30: {  	[tilespmem:s20+$0x7780] =	vst v1  }
0x31: {  	[tilespmem:s20+$0x7790] =	vst v1  }
0x32: {  	[tilespmem:s20+$0x77A0] =	vst v1  }
0x33: {  	[tilespmem:s20+$0x77B0] =	vst v1  }
0x34: {  	[tilespmem:s20+$0x77C0] =	vst v1  }
0x35: {  	[tilespmem:s20+$0x77D0] =	vst v1  }
0x36: {  	[tilespmem:s20+$0x77E0] =	vst v1  }
0x37: {  	[tilespmem:$0x8780] =	vst v1  }
0x38: {  	[tilespmem:$0x8790] =	vst v1  }
0x39: {  	[tilespmem:$0x87A0] =	vst v1  }
0x3a: {  	[tilespmem:$0x87B0] =	vst v1  }
0x3b: {  	[tilespmem:$0x87C0] =	vst v1  }
0x3c: {  	[tilespmem:$0x87D0] =	vst v1  }
0x3d: {  	[tilespmem:$0x87E0] =	vst v1  }
0x3e: {  	[tilespmem:$0x87F0] =	vst v1  }
0x3f: {  	[tilespmem:$0x8800] =	vst v1  }
0x40: {  	[tilespmem:$0x8810] =	vst v1  }
0x41: {  	[tilespmem:$0x8820] =	vst v1  }
0x42: {  	[tilespmem:$0x8830] =	vst v1  }
0x43: {  	[tilespmem:$0x8840] =	vst v1  }
0x44: {  	[tilespmem:$0x8850] =	vst v1  }
0x45: {  	[tilespmem:$0x8860] =	vst v1  }
0x46: {  	[tilespmem:$0x8870] =	vst v1  }
0x47: {  	[tilespmem:$0x8880] =	vst v1  }
0x48: {  	[tilespmem:$0x8890] =	vst v1  }
0x49: {  	[tilespmem:$0x88A0] =	vst v1  }
0x4a: {  	[tilespmem:$0x88B0] =	vst v1  }
0x4b: {  	[tilespmem:$0x88C0] =	vst v1  }
0x4c: {  	[tilespmem:$0x88D0] =	vst v1  }
0x4d: {  	[tilespmem:$0x88E0] =	vst v1  }
0x4e: {  	[tilespmem:$0x88F0] =	vst v1  }
0x4f: {  	[tilespmem:$0x8900] =	vst v1  }
0x50: {  	[tilespmem:$0x8910] =	vst v1  }
0x51: {  	[tilespmem:$0x8920] =	vst v1  }
0x52: {  	[tilespmem:$0x8930] =	vst v1  }
0x53: {  	[tilespmem:$0x8940] =	vst v1  }
0x54: {  	[tilespmem:$0x8950] =	vst v1  }
0x55: {  	[tilespmem:$0x8960] =	vst v1  }
0x56: {  	[tilespmem:$0x8970] =	vst v1  }
0x57: {  	[tilespmem:$0x8980] =	vst v1  }
0x58: {  	[tilespmem:$0x8990] =	vst v1  }
0x59: {  	[tilespmem:$0x89A0] =	vst v1  }
0x5a: {  	[tilespmem:$0x89B0] =	vst v1  }
0x5b: {  	[tilespmem:$0x89C0] =	vst v1  }
0x5c: {  	[tilespmem:$0x89D0] =	vst v1  }
0x5d: {  	[tilespmem:$0x89E0] =	vst v1  }
0x5e: {  	s20 =	simm.s32 $0x0;
	s21 =	rddreg [dreg:$0x6];
	[tilespmem:$0x89F0] =	vst v1  }
0x5f: {  	[tilespmem:s20], [sflag:$0x6] =	stream.linear.gather [hbm4b:s21+s20], $0x2780, $0x38;
	[tilespmem:$0x1CC80] =	vst v63  }
0x60: {  	s25 =	rddreg [dreg:$0x7];
	s23 =	simm.s32 $0x2780  }
0x61: {  	[tilespmem:s23], [sflag:$0x6] =	stream.linear.gather [hbm4b:s25+s20], $0x2780, $0x38;
	[tilespmem:$0x1CC80] =	vst v63  }
0x62: {  	_ =	swait.ge [sflag:s0], $0x2780  }
0x63: {  	[sflag:s0] =	ssyncset.done $0x0  }
0x64: {  	[sflag:s0] =	ssyncadd.s32 $0xFFFFD880  }
0x65: {  	_ =	swait.ge [sflag:s0], $0x2780  }
0x66: {  	[sflag:s0] =	ssyncset.done $0x0  }
0x67: {  	[sflag:s0] =	ssyncadd.s32 $0xFFFFD880  }
0x68: {  	[tilespmem:s8], [sflag:$0x1] =	stream.indirect.gather [hbm4b:s1+s6], $0x80, s20, s6, $0xb8;
	[tilespmem:$0x1CC80] =	vst v63  }
0x69: {  	_ = 	snop  }
0x6a: {  	[tilespmem:s9], [sflag:$0x2] =	stream.indirect.gather [hbm4b:s1+s6], $0x80, s6, s6, $0xb8;
	[tilespmem:$0x1CC80] =	vst v63  }
0x6b: {  	_ = 	snop  }
0x6c: {  	[spmem:s7] =	stream.linear.scatter [tilespmem:s10], [sflag:$0x7], $0x1000, $0x38;
	[tilespmem:$0x1CC80] =	vst v63  }
0x6d: {  	_ =	swait.ge [sflag:s11], $0x1000  }
0x6e: {  	[sflag:s11] =	ssyncset.done $0x0  }
0x6f: {  	s23 =	rddreg [dreg:$0x8];
	[sflag:s11] =	ssyncadd.s32 $0xFFFFF000  }
0x70: {  	[spmem:s23] =	stream.linear.scatter [tilespmem:s10], [sflag:$0x7], $0x1000, $0x38;
	[tilespmem:$0x1CC80] =	vst v63  }
0x71: {  	_ =	swait.ge [sflag:s11], $0x1000  }
0x72: {  	[sflag:s11] =	ssyncset.done $0x0  }
0x73: {  	s25 =	rddreg [dreg:$0x9];
	[sflag:s11] =	ssyncadd.s32 $0xFFFFF000  }
0x74: {  	[spmem:s25] =	stream.linear.scatter [tilespmem:s10], [sflag:$0x7], $0x1000, $0x38;
	[tilespmem:$0x1CC80] =	vst v63  }
0x75: {  	_ =	swait.ge [sflag:s11], $0x1000  }
0x76: {  	[sflag:s11] =	ssyncset.done $0x0  }
0x77: {  	s21 =	rddreg [dreg:$0xa];
	[sflag:s11] =	ssyncadd.s32 $0xFFFFF000  }
0x78: {  	[spmem:s21] =	stream.linear.scatter [tilespmem:s10], [sflag:$0x7], $0x1000, $0x38;
	[tilespmem:$0x1CC80] =	vst v63  }
0x79: {  	_ =	swait.ge [sflag:s11], $0x1000  }
0x7a: {  	[sflag:s11] =	ssyncset.done $0x0  }
0x7b: {  	s23 =	rddreg [dreg:$0xb];
	[sflag:s11] =	ssyncadd.s32 $0xFFFFF000  }
0x7c: {  	[spmem:s23] =	stream.linear.scatter [tilespmem:s10], [sflag:$0x7], $0x1000, $0x38;
	[tilespmem:$0x1CC80] =	vst v63  }
0x7d: {  	_ =	swait.ge [sflag:s11], $0x1000  }
0x7e: {  	[sflag:s11] =	ssyncset.done $0x0  }
0x7f: {  	s25 =	rddreg [dreg:$0xc];
	[sflag:s11] =	ssyncadd.s32 $0xFFFFF000  }
0x80: {  	[spmem:s25] =	stream.linear.scatter [tilespmem:s10], [sflag:$0x7], $0x1000, $0x38;
	[tilespmem:$0x1CC80] =	vst v63  }
0x81: {  	_ =	swait.ge [sflag:s11], $0x1000  }
0x82: {  	[sflag:s11] =	ssyncset.done $0x0  }
0x83: {  	s21 =	rddreg [dreg:$0xd];
	[sflag:s11] =	ssyncadd.s32 $0xFFFFF000  }
0x84: {  	[spmem:s21] =	stream.linear.scatter [tilespmem:s10], [sflag:$0x7], $0x1000, $0x38;
	[tilespmem:$0x1CC80] =	vst v63  }
0x85: {  	_ =	swait.ge [sflag:s11], $0x1000  }
0x86: {  	[sflag:s11] =	ssyncset.done $0x0  }
0x87: {  	s23 =	rddreg [dreg:$0xe];
	[sflag:s11] =	ssyncadd.s32 $0xFFFFF000  }
0x88: {  	[spmem:s23] =	stream.linear.scatter [tilespmem:s10], [sflag:$0x7], $0x1000, $0x38;
	[tilespmem:$0x1CC80] =	vst v63  }
0x89: {  	_ =	swait.ge [sflag:s11], $0x1000  }
0x8a: {  	[sflag:s11] =	ssyncset.done $0x0  }
0x8b: {  	s25 =	rddreg [dreg:$0xf];
	[sflag:s11] =	ssyncadd.s32 $0xFFFFF000  }
0x8c: {  	[spmem:s25] =	stream.linear.scatter [tilespmem:s10], [sflag:$0x7], $0x1000, $0x38;
	[tilespmem:$0x1CC80] =	vst v63  }
0x8d: {  	_ =	swait.ge [sflag:s11], $0x1000  }
0x8e: {  	[sflag:s11] =	ssyncset.done $0x0  }
0x8f: {  	s21 =	rddreg [dreg:$0x10];
	[sflag:s11] =	ssyncadd.s32 $0xFFFFF000  }
0x90: {  	[spmem:s21] =	stream.linear.scatter [tilespmem:s10], [sflag:$0x7], $0x1000, $0x38;
	[tilespmem:$0x1CC80] =	vst v63  }
0x91: {  	_ =	swait.ge [sflag:s11], $0x1000  }
0x92: {  	[sflag:s11] =	ssyncset.done $0x0  }
0x93: {  	s23 =	rddreg [dreg:$0x11];
	[sflag:s11] =	ssyncadd.s32 $0xFFFFF000  }
0x94: {  	[spmem:s23] =	stream.linear.scatter [tilespmem:s10], [sflag:$0x7], $0x1000, $0x38;
	[tilespmem:$0x1CC80] =	vst v63  }
0x95: {  	_ =	swait.ge [sflag:s11], $0x1000  }
0x96: {  	[sflag:s11] =	ssyncset.done $0x0  }
0x97: {  	s25 =	rddreg [dreg:$0x12];
	[sflag:s11] =	ssyncadd.s32 $0xFFFFF000  }
0x98: {  	[spmem:s25] =	stream.linear.scatter [tilespmem:s10], [sflag:$0x7], $0x1000, $0x38;
	[tilespmem:$0x1CC80] =	vst v63  }
0x99: {  	_ =	swait.ge [sflag:s11], $0x1000  }
0x9a: {  	[sflag:s11] =	ssyncset.done $0x0  }
0x9b: {  	s21 =	rddreg [dreg:$0x13];
	[sflag:s11] =	ssyncadd.s32 $0xFFFFF000  }
0x9c: {  	[spmem:s21] =	stream.linear.scatter [tilespmem:s10], [sflag:$0x7], $0x1000, $0x38;
	[tilespmem:$0x1CC80] =	vst v63  }
0x9d: {  	_ =	swait.ge [sflag:s11], $0x1000  }
0x9e: {  	[sflag:s11] =	ssyncset.done $0x0  }
0x9f: {  	s23 =	rddreg [dreg:$0x14];
	[sflag:s11] =	ssyncadd.s32 $0xFFFFF000  }
0xa0: {  	[spmem:s23] =	stream.linear.scatter [tilespmem:s10], [sflag:$0x7], $0x1000, $0x38;
	[tilespmem:$0x1CC80] =	vst v63  }
0xa1: {  	_ =	swait.ge [sflag:s11], $0x1000  }
0xa2: {  	[sflag:s11] =	ssyncset.done $0x0  }
0xa3: {  	[sflag:s11] =	ssyncadd.s32 $0xFFFFF000  }
0xa4: {  	[spmem:s26] =	stream.linear.scatter [tilespmem:s10], [sflag:$0x7], $0x1000, $0x38;
	[tilespmem:$0x1CC80] =	vst v63  }
0xa5: {  	_ =	swait.ge [sflag:s11], $0x1000  }
0xa6: {  	[sflag:s11] =	ssyncset.done $0x0  }
0xa7: {  	[sflag:s11] =	ssyncadd.s32 $0xFFFFF000  }
0xa8: {  	[spmem:s28] =	stream.linear.scatter [tilespmem:s10], [sflag:$0x7], $0x1000, $0x38;
	[tilespmem:$0x1CC80] =	vst v63  }
0xa9: {  	_ =	swait.ge [sflag:s11], $0x1000  }
0xaa: {  	[sflag:s11] =	ssyncset.done $0x0  }
0xab: {  	[sflag:s11] =	ssyncadd.s32 $0xFFFFF000  }
0xac: {  	[spmem:s29] =	stream.linear.scatter [tilespmem:s10], [sflag:$0x7], $0x1000, $0x38;
	[tilespmem:$0x1CC80] =	vst v63  }
0xad: {  	_ =	swait.ge [sflag:s11], $0x1000  }
0xae: {  	[sflag:s11] =	ssyncset.done $0x0  }
0xaf: {  	[sflag:s11] =	ssyncadd.s32 $0xFFFFF000  }
0xb0: {  	[spmem:s30] =	stream.linear.scatter [tilespmem:s10], [sflag:$0x7], $0x1000, $0x38;
	[tilespmem:$0x1CC80] =	vst v63  }
0xb1: {  	_ =	swait.ge [sflag:s11], $0x1000  }
0xb2: {  	[sflag:s11] =	ssyncset.done $0x0  }
0xb3: {  	[sflag:s11] =	ssyncadd.s32 $0xFFFFF000  }
0xb4: {  	[spmem:s31] =	stream.linear.scatter [tilespmem:s10], [sflag:$0x7], $0x1000, $0x38;
	[tilespmem:$0x1CC80] =	vst v63  }
0xb5: {  	_ =	swait.ge [sflag:s11], $0x1000  }
0xb6: {  	[sflag:s11] =	ssyncset.done $0x0  }
0xb7: {  	[sflag:s11] =	ssyncadd.s32 $0xFFFFF000  }
0xb8: {  	[spmem:s2] =	stream.linear.scatter [tilespmem:s10], [sflag:$0x7], $0x1000, $0x38;
	[tilespmem:$0x1CC80] =	vst v63  }
0xb9: {  	_ =	swait.ge [sflag:s11], $0x1000  }
0xba: {  	[sflag:s11] =	ssyncset.done $0x0  }
0xbb: {  	s25 =	simm.s32 $0x8780;
	[sflag:s11] =	ssyncadd.s32 $0xFFFFF000  }
0xbc: {  	[spmem:s22] =	stream.linear.scatter [tilespmem:s25], [sflag:$0x7], $0x280, $0x38;
	[tilespmem:$0x1CC80] =	vst v63  }
0xbd: {  	_ =	swait.ge [sflag:s11], $0x280  }
0xbe: {  	[sflag:s11] =	ssyncset.done $0x0  }
0xbf: {  	[sflag:s11] =	ssyncadd.s32 $0xFFFFFD80  }
0xc0: {  	[bflag:$0x0] =	sbarrier.arrive $0xFFFF  }
0xc1: {  	_ =	swait.ge [sflag:s12], $0x1400  }
0xc2: {  	[sflag:s12] =	ssyncset.done $0x0  }
0xc3: {  	s21 =	simm.s32 $0x2780;
	[sflag:s12] =	ssyncadd.s32 $0xFFFFEC00  }
0xc4: {  	[spmem:s3] =	stream.indirect.scatter.add.f32 [tilespmem:s8], [sflag:$0x3], $0x80, s21, s6, $0xb8;
	[tilespmem:$0x1CC80] =	vst v63  }
0xc5: {  	_ = 	snop  }
0xc6: {  	[spmem:s4] =	stream.indirect.scatter.add.f32 [tilespmem:s14], [sflag:$0x5], $0x1, s21, s13, $0xb8;
	[tilespmem:$0x1CC80] =	vst v63  }
0xc7: {  	_ =	swait.ge [sflag:s15], $0x1400  }
0xc8: {  	[sflag:s15] =	ssyncset.done $0x0  }
0xc9: {  	s23 =	simm.s32 $0x27A8;
	[sflag:s15] =	ssyncadd.s32 $0xFFFFEC00  }
0xca: {  	[spmem:s3] =	stream.indirect.scatter.add.f32 [tilespmem:s9], [sflag:$0x4], $0x80, s23, s6, $0xb8;
	[tilespmem:$0x1CC80] =	vst v63  }
0xcb: {  	_ =	swait.ge [sflag:s16], $0x1400  }
0xcc: {  	[sflag:s16] =	ssyncset.done $0x0  }
0xcd: {  	s25 =	simm.s32 $0x50;
	[sflag:s16] =	ssyncadd.s32 $0xFFFFEC00  }
0xce: {  	[tilespmem:s8], [sflag:$0x1] =	stream.indirect.gather [hbm4b:s1+s6], $0x80, s25, s6, $0xb8;
	[tilespmem:$0x1CC80] =	vst v63  }
0xcf: {  	_ =	swait.ge [sflag:s17], $0x1400  }
0xd0: {  	[sflag:s17] =	ssyncset.done $0x0  }
0xd1: {  	[sflag:s17] =	ssyncadd.s32 $0xFFFFEC00  }
0xd2: {  	_ =	swait.ge [sflag:s18], $0x50  }
0xd3: {  	[sflag:s18] =	ssyncset.done $0x0  }
0xd4: {  	s20 =	simm.s32 $0x140;
	s21 =	simm.s32 $0x78;
	[sflag:s18] =	ssyncadd.s32 $0xFFFFFFB0  }
.LBB2_4:
0xd5: {  	[tilespmem:s9], [sflag:$0x2] =	stream.indirect.gather [hbm4b:s1+s6], $0x80, s21, s6, $0xb8;
	[tilespmem:$0x1CC80] =	vst v63  }
0xd6: {  	s21 =	smov.u32 s20  }
0xd7: {  	p0 =	sne.s32 s20, $0x99C0;
	s20 =	sadd.s32 $0x140, s20;
	_ =	swait.ge [sflag:s12], $0x1400  }
0xd8: {  	s21 =	sshra.s32 s21, $0x2;
	[sflag:s12] =	ssyncset.done $0x0  }
0xd9: {  	s23 =	sadd.s32 $0x2780, s21;
	[sflag:s12] =	ssyncadd.s32 $0xFFFFEC00  }
0xda: {  	[spmem:s3] =	stream.indirect.scatter.add.f32 [tilespmem:s8], [sflag:$0x3], $0x80, s23, s6, $0xb8;
	[tilespmem:$0x1CC80] =	vst v63  }
0xdb: {  	_ = 	snop  }
0xdc: {  	[spmem:s4] =	stream.indirect.scatter.add.f32 [tilespmem:s14], [sflag:$0x5], $0x1, s23, s13, $0xb8;
	[tilespmem:$0x1CC80] =	vst v63  }
0xdd: {  	_ =	swait.ge [sflag:s15], $0x1400  }
0xde: {  	[sflag:s15] =	ssyncset.done $0x0  }
0xdf: {  	s23 =	sadd.s32 $0x27A8, s21;
	[sflag:s15] =	ssyncadd.s32 $0xFFFFEC00  }
0xe0: {  	[spmem:s3] =	stream.indirect.scatter.add.f32 [tilespmem:s9], [sflag:$0x4], $0x80, s23, s6, $0xb8;
	[tilespmem:$0x1CC80] =	vst v63  }
0xe1: {  	_ =	swait.ge [sflag:s16], $0x1400  }
0xe2: {  	[sflag:s16] =	ssyncset.done $0x0  }
0xe3: {  	s23 =	sadd.s32 $0x50, s21;
	[sflag:s16] =	ssyncadd.s32 $0xFFFFEC00  }
0xe4: {  	[tilespmem:s8], [sflag:$0x1] =	stream.indirect.gather [hbm4b:s1+s6], $0x80, s23, s6, $0xb8;
	[tilespmem:$0x1CC80] =	vst v63  }
0xe5: {  	_ =	swait.ge [sflag:s17], $0x1400  }
.Ltmp1:
0xe6: {  	[sflag:s17] =	ssyncset.done $0x0;
	(pc) =	sbr.rel @p0 .LBB2_4-.Ltmp1, $4  }
0xe7: {  	[sflag:s17] =	ssyncadd.s32 $0xFFFFEC00  }
0xe8: {  	_ =	swait.ge [sflag:s18], $0x50  }
0xe9: {  	[sflag:s18] =	ssyncset.done $0x0  }
0xea: {  	s21 =	sadd.s32 $0x78, s21;
	[sflag:s18] =	ssyncadd.s32 $0xFFFFFFB0  }
0xeb: {  	[tilespmem:s9], [sflag:$0x2] =	stream.indirect.gather [hbm4b:s1+s6], $0x80, s21, s6, $0xb8;
	[tilespmem:$0x1CC80] =	vst v63  }
0xec: {  	_ =	swait.ge [sflag:s12], $0x1400  }
0xed: {  	[sflag:s12] =	ssyncset.done $0x0  }
0xee: {  	[sflag:s12] =	ssyncadd.s32 $0xFFFFEC00  }
0xef: {  	[spmem:s3] =	stream.indirect.scatter.add.f32 [tilespmem:s8], [sflag:$0x3], $0x80, s19, s6, $0xb8;
	[tilespmem:$0x1CC80] =	vst v63  }
0xf0: {  	_ = 	snop  }
0xf1: {  	[spmem:s4] =	stream.indirect.scatter.add.f32 [tilespmem:s14], [sflag:$0x5], $0x1, s19, s13, $0xb8;
	[tilespmem:$0x1CC80] =	vst v63  }
0xf2: {  	_ =	swait.ge [sflag:s15], $0x1400  }
0xf3: {  	[sflag:s15] =	ssyncset.done $0x0  }
0xf4: {  	s20 =	simm.s32 $0x4E68;
	[sflag:s15] =	ssyncadd.s32 $0xFFFFEC00  }
0xf5: {  	[spmem:s3] =	stream.indirect.scatter.add.f32 [tilespmem:s9], [sflag:$0x4], $0x80, s20, s6, $0xb8;
	[tilespmem:$0x1CC80] =	vst v63  }
0xf6: {  	_ =	swait.ge [sflag:s16], $0x1400  }
0xf7: {  	[sflag:s16] =	ssyncset.done $0x0  }
0xf8: {  	[sflag:s16] =	ssyncadd.s32 $0xFFFFEC00  }
0xf9: {  	_ =	swait.ge [sflag:s17], $0x1400  }
0xfa: {  	[sflag:s17] =	ssyncset.done $0x0  }
0xfb: {  	[sflag:s17] =	ssyncadd.s32 $0xFFFFEC00  }
0xfc: {  	_ =	swait.ge [sflag:s18], $0x50  }
0xfd: {  	[sflag:s18] =	ssyncset.done $0x0  }
0xfe: {  	s23 =	stileid.u32;
	[sflag:s18] =	ssyncadd.s32 $0xFFFFFFB0  }
0xff: {  	s20 =	sshll.u32 s23, $0x6;
	[bflag:$0x0] =	sbarrier.arrive $0xFFFF  }
0x100: {  	s25 =	sshrl.u32 s7, $0x3;
	s20 =	sor.u32 $0x1C07, s20;
	s23 =	rddreg [dreg:$0x15]  }
0x101: {  	[hbm:s23], [sflag:s20] =	dma.local [spmem:s25], $0x2800  }
0x102: {  	_ =	swait.ge [sflag:s11], $0x2800  }
0x103: {  	s21 =	sshrl.u32 s22, $0x3;
	[sflag:s11] =	ssyncset.done $0x0  }
0x104: {  	s23 =	simm.s32 $0x20;
	s25 =	rddreg [dreg:$0x16];
	[sflag:s11] =	ssyncadd.s32 $0xFFFFD800  }
0x105: {  	[hbm:s25@s23], [sflag:s20] =	dma.strided [spmem:s21@s24], $0x50, s12, $0x10   }
0x106: {  	_ =	swait.ge [sflag:s11], $0x50  }
0x107: {  	s5 =	sadd.s32 $0x1, s5;
	s25 =	rddreg [dreg:$0x17]  }
0x108: {  	p0 =	sne.s32 s5, s25  }
.Ltmp2:
0x109: {  	_ = 	snop;
	(pc) =	sbr.rel @p0 .LBB2_1-.Ltmp2, $3  }
0x10a: {  	_ =	sdelay $0x1  }
0x10b: {  	[sflag:s11] =	ssyncset.done $0x0  }
0x10c: {  	[sflag:s11] =	ssyncadd.s32 $0xFFFFFFB0  }
0x10d: {  	_ =	sfence.sel $0x180000  }
0x10e: {  	[bflag:$0x0] =	sbarrier.arrive $0xFFFF  }
0x10f: {  	_ =	strace $0x90000047  }
0x110: {  	s0 =	stileid.u32;
	[bflag:$0x2] =	sbarrier.arrive $0xFFFF  }
0x111: {  	p0 =	sne.s32 s0, $0x0;
	s0 =	rddreg [dreg:$0x5]  }
0x112: {  	s0 =	sadd.s32 @!p0 $0x100000, s0  }
0x113: {  	[sflag:s0] =	ssyncadd.tile.s32 @!p0 $0x1;
	_ =	shalt  }
.Lfunc_end2:
_tile_overlayer_lowered:
.L_overlay_start_2:
0x114: {  	(tag) =	ssettag $0x2  }
0x115: {  	s0 =	rddreg [dreg:$0x0];
	s2 =	stileid.u32  }
0x116: {  	s1 =	rddreg [dreg:$0x1];
	p0 =	sne.s32 s2, $0x0  }
0x117: {  	s3 =	rddreg [dreg:$0x2];
	[bflag:$0x3] =	sbarrier.arrive $0xFFFF;
	s2 =	simm.s32 @!p0 $0x1C07  }
0x118: {  	[timem:s3], [sflag:s2] =	dma.local @!p0 [hbm:s0], s1  }
0x119: {  	s0 =	simm.s32 @!p0 $0x7  }
0x11a: {  	_ =	swait.ge @!p0 [sflag:s0], s1  }
0x11b: {  	s1 =	ssub.s32 @!p0 $0x0, s1;
	[sflag:s0] =	ssyncset.done @!p0 $0x0  }
0x11c: {  	[sflag:s0] =	ssyncadd.s32 @!p0 s1  }
0x11d: {  	[bflag:$0x3] =	sbarrier.arrive $0xFFFF  }
0x11e: {  	_ =	shalt  }

</sc_bundles>
